<compile_context>
chip_gen: v7x
topology: tpu7x:2x2x1
jax: 0.10.2.dev20260603
libtpu: 0.0.44.dev20260713+nightly
codegen_flags: <defaults>
</compile_context>

<pallas_src>
import functools

import jax
import jax.numpy as jnp
from jax import lax
from jax.experimental import pallas as pl
from jax.experimental.pallas import tpu as pltpu
from jax.experimental.pallas import tpu_sc as plsc

N_NODES = 10000
N_EDGES = 320000
D = 128
EPS = 1e-5

NC = 2
NS = 16
NW = NC * NS

CH = 128
KCH = 80
EPT = KCH * CH
E_PAD = NW * EPT
NPAD = 10240
RPT = NPAD // NS
NR = NPAD // 128
DW = 16

ROWBLK = 1000
NBLK = N_NODES // ROWBLK

_mesh = plsc.VectorSubcoreMesh(core_axis_name="c", subcore_axis_name="s",
                               num_cores=NC, num_subcores=NS)


@functools.partial(
    pl.kernel,
    out_type=jax.ShapeDtypeStruct((NC, NPAD, CH), jnp.float32),
    mesh=_mesh,
    scratch_types=[
        pltpu.VMEM((KCH, CH), jnp.int32),
        pltpu.VMEM((CH, CH), jnp.float32),
        pltpu.VMEM_SHARED((NPAD, CH), jnp.float32),
    ],
)
def _deg_kernel(dst_hbm, z1_hbm, degp_hbm, dstv, onesv, deg_sh):
    c = lax.axis_index("c")
    s = lax.axis_index("s")
    wid = c * NS + s
    pltpu.sync_copy(dst_hbm.at[wid, 0], dstv.at[pl.ds(0, KCH // 2)])
    pltpu.sync_copy(dst_hbm.at[wid, 1], dstv.at[pl.ds(KCH // 2, KCH // 2)])

    def _fill(r, carry):
        for k in range(CH // 16):
            onesv[r, pl.ds(k * 16, 16)] = jnp.ones((16,), jnp.float32)
        return carry

    lax.fori_loop(0, CH, _fill, 0)

    pltpu.sync_copy(z1_hbm.at[pl.ds(s * RPT, RPT)],
                    deg_sh.at[pl.ds(s * RPT, RPT)])
    plsc.subcore_barrier()

    def _scat(j, carry):
        pltpu.sync_copy(onesv, deg_sh.at[dstv.at[j]], add=True)
        return carry

    lax.fori_loop(0, KCH, _scat, 0)

    plsc.subcore_barrier()
    pltpu.sync_copy(deg_sh.at[pl.ds(s * RPT, RPT)],
                    degp_hbm.at[c, pl.ds(s * RPT, RPT)])


def _scale_body(x_ref, degp_ref, g_ref):
    deg = degp_ref[0, :, 0:1] + degp_ref[1, :, 0:1] + 1.0
    dinv = lax.rsqrt(deg)
    g_ref[...] = x_ref[...] * dinv


def _scale(x, degp):
    return pl.pallas_call(
        _scale_body,
        grid=(NBLK,),
        in_specs=[
            pl.BlockSpec((ROWBLK, D), lambda i: (i, 0)),
            pl.BlockSpec((NC, ROWBLK, CH), lambda i: (0, i, 0)),
        ],
        out_specs=pl.BlockSpec((ROWBLK, D), lambda i: (i, 0)),
        out_shape=jax.ShapeDtypeStruct((N_NODES, D), jnp.float32),
    )(x, degp)


@functools.partial(
    pl.kernel,
    out_type=jax.ShapeDtypeStruct((NC, NPAD, D), jnp.float32),
    mesh=_mesh,
    scratch_types=[
        pltpu.VMEM((KCH // 2, CH), jnp.int32),
        pltpu.VMEM((KCH // 2, CH), jnp.int32),
        pltpu.VMEM((CH, D), jnp.float32),
        pltpu.VMEM((CH, D), jnp.float32),
        pltpu.VMEM_SHARED((NPAD, D), jnp.float32),
        pltpu.SemaphoreType.DMA,
        pltpu.SemaphoreType.DMA,
    ],
)
def _gs_kernel(g_hbm, src_hbm, dst_hbm, z2_hbm, outp_hbm,
               srcv, dstv, rows0, rows1, acc_sh, sem0, sem1):
    c = lax.axis_index("c")
    s = lax.axis_index("s")
    wid = c * NS + s
    kh = KCH // 2
    pltpu.sync_copy(z2_hbm.at[pl.ds(s * RPT, RPT)],
                    acc_sh.at[pl.ds(s * RPT, RPT)])
    plsc.subcore_barrier()

    for h in range(2):
        pltpu.sync_copy(src_hbm.at[wid, h], srcv)
        pltpu.sync_copy(dst_hbm.at[wid, h], dstv)

        pltpu.async_copy(g_hbm.at[srcv.at[0]], rows0, sem0)
        pltpu.async_copy(g_hbm.at[srcv.at[1]], rows1, sem1)

        def _step(k, carry):
            j0 = 2 * k
            j1 = j0 + 1
            pltpu.make_async_copy(g_hbm.at[srcv.at[j0]], rows0, sem0).wait()
            pltpu.sync_copy(rows0, acc_sh.at[dstv.at[j0]], add=True)

            @pl.when(j0 + 2 < kh)
            def _():
                pltpu.async_copy(g_hbm.at[srcv.at[j0 + 2]], rows0, sem0)

            pltpu.make_async_copy(g_hbm.at[srcv.at[j1]], rows1, sem1).wait()
            pltpu.sync_copy(rows1, acc_sh.at[dstv.at[j1]], add=True)

            @pl.when(j1 + 2 < kh)
            def _():
                pltpu.async_copy(g_hbm.at[srcv.at[j1 + 2]], rows1, sem1)

            return carry

        lax.fori_loop(0, kh // 2, _step, 0)

    plsc.subcore_barrier()
    pltpu.sync_copy(acc_sh.at[pl.ds(s * RPT, RPT)],
                    outp_hbm.at[c, pl.ds(s * RPT, RPT)])


def _final_body(p_ref, g_ref, degp_ref, W_ref, b_ref, lnw_ref, lnb_ref,
                linW_ref, linb_ref, out_ref):
    gv = g_ref[...]
    acc = p_ref[0] + p_ref[1] + gv
    deg = degp_ref[0, :, 0:1] + degp_ref[1, :, 0:1] + 1.0
    pre = acc * lax.rsqrt(deg)
    y = jnp.dot(pre, W_ref[...], precision=lax.Precision.HIGHEST,
                preferred_element_type=jnp.float32) + b_ref[...]
    y = jnp.maximum(y, 0.0)
    mu = jnp.mean(y, axis=1, keepdims=True)
    var = jnp.mean((y - mu) * (y - mu), axis=1, keepdims=True)
    yn = (y - mu) * lax.rsqrt(var + EPS) * lnw_ref[...] + lnb_ref[...]
    out_ref[...] = jnp.dot(yn, linW_ref[...], precision=lax.Precision.HIGHEST,
                           preferred_element_type=jnp.float32) + linb_ref[...]


def _final(p, g, degp, W, b, ln_w, ln_b, lin_W, lin_b):
    row = lambda i: (i, 0)
    full2 = pl.BlockSpec((1, D), lambda i: (0, 0))
    return pl.pallas_call(
        _final_body,
        grid=(NBLK,),
        in_specs=[
            pl.BlockSpec((NC, ROWBLK, D), lambda i: (0, i, 0)),
            pl.BlockSpec((ROWBLK, D), row),
            pl.BlockSpec((NC, ROWBLK, CH), lambda i: (0, i, 0)),
            pl.BlockSpec((D, D), lambda i: (0, 0)),
            full2, full2, full2,
            pl.BlockSpec((D, D), lambda i: (0, 0)),
            full2,
        ],
        out_specs=pl.BlockSpec((ROWBLK, D), row),
        out_shape=jax.ShapeDtypeStruct((N_NODES, D), jnp.float32),
    )(p, g, degp, W, b, ln_w, ln_b, lin_W, lin_b)


def kernel(x, edge_index, W, b, ln_w, ln_b, lin_W, lin_b):
    ei = edge_index.astype(jnp.int32)
    ppt = EPT - N_EDGES // NW
    pad_src = jnp.broadcast_to(jnp.arange(ppt, dtype=jnp.int32) % N_NODES,
                               (NW, ppt))
    pad_dst = jnp.broadcast_to(
        N_NODES + jnp.arange(ppt, dtype=jnp.int32) % (NPAD - N_NODES),
        (NW, ppt))
    src_p = jnp.concatenate(
        [ei[0].reshape(NW, -1), pad_src], axis=1).reshape(NW, 2, KCH // 2, CH)
    dst_p = jnp.concatenate(
        [ei[1].reshape(NW, -1), pad_dst], axis=1).reshape(NW, 2, KCH // 2, CH)
    z2 = jnp.zeros((NPAD, D), jnp.float32)

    degp = _deg_kernel(dst_p, z2)
    g = _scale(x, degp)
    p = _gs_kernel(g, src_p, dst_p, z2)
    b2 = b.reshape(1, D)
    return _final(p, g, degp, W, b2, ln_w.reshape(1, D), ln_b.reshape(1, D),
                  lin_W, lin_b.reshape(1, D))

# --- scband reference (transcript-rebuilt; emitter-appended) ---
"""Pipeline reference for scband-gcnblock-45947560133452 (READ-ONLY COPY).

The authoritative reference and input builder live on the scoring server;
editing this copy changes nothing except your own understanding.
"""

import jax, jax.numpy as jnp
import numpy as np

N_NODES = 10000
N_EDGES = 320000
D_IN = 128
D_OUT = 128
EPS = 1e-5


def setup_inputs(seed: int = 0) -> dict:
    key = jax.random.key(seed)
    ks = jax.random.split(key, 6)
    x = jax.random.normal(ks[0], (N_NODES, D_IN), dtype=jnp.float32)
    edge_index = jax.random.randint(ks[1], (2, N_EDGES), 0, N_NODES, dtype=jnp.int64)
    # GCNConv weight (PyG: lin has no bias; separate additive bias)
    W = jax.random.normal(ks[2], (D_IN, D_OUT), dtype=jnp.float32) * (1.0 / np.sqrt(D_IN))
    b = jnp.zeros((D_OUT,), dtype=jnp.float32)
    # LayerNorm affine params
    ln_w = jnp.ones((D_OUT,), dtype=jnp.float32)
    ln_b = jnp.zeros((D_OUT,), dtype=jnp.float32)
    # final Linear
    lin_W = jax.random.normal(ks[3], (D_OUT, D_OUT), dtype=jnp.float32) * (1.0 / np.sqrt(D_OUT))
    lin_b = jax.random.normal(ks[4], (D_OUT,), dtype=jnp.float32) * 0.01
    return {"x": x, "edge_index": edge_index, "W": W, "b": b,
            "ln_w": ln_w, "ln_b": ln_b, "lin_W": lin_W, "lin_b": lin_b}


def reference(x, edge_index, W, b, ln_w, ln_b, lin_W, lin_b):
    N = x.shape[0]
    src = edge_index[0]
    dst = edge_index[1]
    # add self loops (GCNConv default add_self_loops=True, edge_weight=None -> 1.0)
    loop = jnp.arange(N, dtype=src.dtype)
    src_full = jnp.concatenate([src, loop])
    dst_full = jnp.concatenate([dst, loop])
    ew = jnp.ones(src_full.shape[0], dtype=jnp.float32)
    # symmetric normalization: deg over dst
    deg = jax.ops.segment_sum(ew, dst_full, num_segments=N)
    deg_inv_sqrt = jnp.where(deg > 0, deg ** -0.5, 0.0)
    norm = deg_inv_sqrt[src_full] * deg_inv_sqrt[dst_full] * ew
    # linear transform then message passing (scatter-add to dst)
    h = x @ W
    msgs = h[src_full] * norm[:, None]
    out = jax.ops.segment_sum(msgs, dst_full, num_segments=N) + b
    # relu
    out = jax.nn.relu(out)
    # layernorm over feature dim (per node)
    mu = jnp.mean(out, axis=-1, keepdims=True)
    var = jnp.mean((out - mu) ** 2, axis=-1, keepdims=True)
    out = (out - mu) / jnp.sqrt(var + EPS) * ln_w + ln_b
    # dropout is identity in eval mode
    out = out @ lin_W + lin_b
    return out

if __name__ == "__main__":
    import jax
    _d = setup_inputs()
    print(jax.jit(kernel)(*tuple(_d.values())))

</pallas_src>

<mosaic_0001>
#map = affine_map<(d0, d1) -> (0, 0)>
#map1 = affine_map<(d0, d1) -> (0, 0, 0, 0)>
#map2 = affine_map<(d0, d1) -> (0, 0, 0)>
module attributes {stable_mosaic.version = 14 : i64} {
  func.func @_gs_kernel(%arg0: i32, %arg1: i32, %arg2: memref<10000x128xf32, #tpu.memory_space<hbm>>, %arg3: memref<32x2x40x128xi32, #tpu.memory_space<hbm>>, %arg4: memref<32x2x40x128xi32, #tpu.memory_space<hbm>>, %arg5: memref<10240x128xf32, #tpu.memory_space<hbm>>, %arg6: memref<2x10240x128xf32, #tpu.memory_space<hbm>>, %arg7: memref<40x128xi32, #tpu.memory_space<vmem>>, %arg8: memref<40x128xi32, #tpu.memory_space<vmem>>, %arg9: memref<128x128xf32, #tpu.memory_space<vmem>>, %arg10: memref<128x128xf32, #tpu.memory_space<vmem>>, %arg11: memref<10240x128xf32, #tpu.memory_space<vmem_shared>>, %arg12: memref<!tpu.dma_semaphore, #tpu.memory_space<semaphore_mem>>, %arg13: memref<!tpu.dma_semaphore, #tpu.memory_space<semaphore_mem>>) attributes {dimension_semantics = [#tpu.dimension_semantics<core_parallel>, #tpu.dimension_semantics<subcore_parallel>], iteration_bounds = array<i64: 2, 16>, scalar_prefetch = 0 : i64, scratch_operands = 7 : i64, tpu.core_type = #tpu.core_type<sc_vector_subcore>, window_params = [{transform_indices = #map}, {transform_indices = #map1}, {transform_indices = #map1}, {transform_indices = #map}, {transform_indices = #map2}]} {
    %mul3A = arith.constant 16 : i32
    %mul3A_0 = arith.muli %arg0, %mul3A : i32
    %add3A = arith.addi %mul3A_0, %arg1 : i32
    %mul3A_1 = arith.constant 640 : i32
    %mul3A_2 = arith.muli %arg1, %mul3A_1 : i32
    %mul3A_3 = arith.constant 640 : i32
    %mul3A_4 = arith.muli %arg1, %mul3A_3 : i32
    "tpu.region"() ({
      %run_scoped3A_51 = tpu.sem_alloc : memref<!tpu.dma_semaphore, #tpu.memory_space<semaphore_mem>>
      %dma_start3A_52 = arith.constant 0 : i32
      %dma_start3A_53 = tpu.memref_slice %arg11[%mul3A_4, %dma_start3A_52] : memref<10240x128xf32, #tpu.memory_space<vmem_shared>> -> memref<640x128xf32, #tpu.memory_space<vmem_shared>>
      %dma_start3A_54 = arith.constant 0 : i32
      %dma_start3A_55 = tpu.memref_slice %arg5[%mul3A_2, %dma_start3A_54] : memref<10240x128xf32, #tpu.memory_space<hbm>> -> memref<640x128xf32, #tpu.memory_space<hbm>>
      tpu.enqueue_dma source(%dma_start3A_55 : memref<640x128xf32, #tpu.memory_space<hbm>>) target(%dma_start3A_53 : memref<640x128xf32, #tpu.memory_space<vmem_shared>>) target_semaphore(%run_scoped3A_51 : memref<!tpu.dma_semaphore, #tpu.memory_space<semaphore_mem>>)
      %dma_wait3A = arith.constant 0 : i32
      %dma_wait3A_56 = tpu.memref_slice %arg11[%mul3A_4, %dma_wait3A] : memref<10240x128xf32, #tpu.memory_space<vmem_shared>> -> memref<640x128xf32, #tpu.memory_space<vmem_shared>>
      %dma_wait3A_57 = arith.constant 0 : i32
      %dma_wait3A_58 = tpu.memref_slice %arg5[%mul3A_2, %dma_wait3A_57] : memref<10240x128xf32, #tpu.memory_space<hbm>> -> memref<640x128xf32, #tpu.memory_space<hbm>>
      tpu.wait_dma2 semaphore(%run_scoped3A_51 : memref<!tpu.dma_semaphore, #tpu.memory_space<semaphore_mem>>) src(%dma_wait3A_58 : memref<640x128xf32, #tpu.memory_space<hbm>>) dst(%dma_wait3A_56 : memref<640x128xf32, #tpu.memory_space<vmem_shared>>)
      tpu.yield
    }) : () -> ()
    %barrier3A = arith.constant 0 : index
    tpu.barrier barrier_id(%barrier3A)
    %run_scoped3A = arith.constant 0 : i32
    "tpu.region"() ({
      %run_scoped3A_51 = tpu.sem_alloc : memref<!tpu.dma_semaphore, #tpu.memory_space<semaphore_mem>>
      %dma_start3A_52 = arith.constant 0 : i32
      %dma_start3A_53 = arith.constant 0 : i32
      %dma_start3A_54 = tpu.memref_slice %arg3[%add3A, %run_scoped3A, %dma_start3A_52, %dma_start3A_53] : memref<32x2x40x128xi32, #tpu.memory_space<hbm>> -> memref<1x1x40x128xi32, #tpu.memory_space<hbm>>
      %dma_start3A_55 = tpu.memref_squeeze %dma_start3A_54 : memref<1x1x40x128xi32, #tpu.memory_space<hbm>> -> memref<40x128xi32, #tpu.memory_space<hbm>>
      %dma_start3A_56 = arith.constant 0 : i32
      %dma_start3A_57 = arith.constant 0 : i32
      %dma_start3A_58 = tpu.memref_slice %arg3[%add3A, %run_scoped3A, %dma_start3A_56, %dma_start3A_57] : memref<32x2x40x128xi32, #tpu.memory_space<hbm>> -> memref<1x1x40x128xi32, #tpu.memory_space<hbm>>
      %dma_start3A_59 = tpu.memref_squeeze %dma_start3A_58 : memref<1x1x40x128xi32, #tpu.memory_space<hbm>> -> memref<40x128xi32, #tpu.memory_space<hbm>>
      tpu.enqueue_dma source(%dma_start3A_59 : memref<40x128xi32, #tpu.memory_space<hbm>>) target(%arg7 : memref<40x128xi32, #tpu.memory_space<vmem>>) target_semaphore(%run_scoped3A_51 : memref<!tpu.dma_semaphore, #tpu.memory_space<semaphore_mem>>)
      %dma_wait3A = arith.constant 0 : i32
      %dma_wait3A_60 = arith.constant 0 : i32
      %dma_wait3A_61 = tpu.memref_slice %arg3[%add3A, %run_scoped3A, %dma_wait3A, %dma_wait3A_60] : memref<32x2x40x128xi32, #tpu.memory_space<hbm>> -> memref<1x1x40x128xi32, #tpu.memory_space<hbm>>
      %dma_wait3A_62 = tpu.memref_squeeze %dma_wait3A_61 : memref<1x1x40x128xi32, #tpu.memory_space<hbm>> -> memref<40x128xi32, #tpu.memory_space<hbm>>
      %dma_wait3A_63 = arith.constant 0 : i32
      %dma_wait3A_64 = arith.constant 0 : i32
      %dma_wait3A_65 = tpu.memref_slice %arg3[%add3A, %run_scoped3A, %dma_wait3A_63, %dma_wait3A_64] : memref<32x2x40x128xi32, #tpu.memory_space<hbm>> -> memref<1x1x40x128xi32, #tpu.memory_space<hbm>>
      %dma_wait3A_66 = tpu.memref_squeeze %dma_wait3A_65 : memref<1x1x40x128xi32, #tpu.memory_space<hbm>> -> memref<40x128xi32, #tpu.memory_space<hbm>>
      tpu.wait_dma2 semaphore(%run_scoped3A_51 : memref<!tpu.dma_semaphore, #tpu.memory_space<semaphore_mem>>) src(%dma_wait3A_66 : memref<40x128xi32, #tpu.memory_space<hbm>>) dst(%arg7 : memref<40x128xi32, #tpu.memory_space<vmem>>)
      tpu.yield
    }) : () -> ()
    %run_scoped3A_5 = arith.constant 0 : i32
    "tpu.region"() ({
      %run_scoped3A_51 = tpu.sem_alloc : memref<!tpu.dma_semaphore, #tpu.memory_space<semaphore_mem>>
      %dma_start3A_52 = arith.constant 0 : i32
      %dma_start3A_53 = arith.constant 0 : i32
      %dma_start3A_54 = tpu.memref_slice %arg4[%add3A, %run_scoped3A_5, %dma_start3A_52, %dma_start3A_53] : memref<32x2x40x128xi32, #tpu.memory_space<hbm>> -> memref<1x1x40x128xi32, #tpu.memory_space<hbm>>
      %dma_start3A_55 = tpu.memref_squeeze %dma_start3A_54 : memref<1x1x40x128xi32, #tpu.memory_space<hbm>> -> memref<40x128xi32, #tpu.memory_space<hbm>>
      %dma_start3A_56 = arith.constant 0 : i32
      %dma_start3A_57 = arith.constant 0 : i32
      %dma_start3A_58 = tpu.memref_slice %arg4[%add3A, %run_scoped3A_5, %dma_start3A_56, %dma_start3A_57] : memref<32x2x40x128xi32, #tpu.memory_space<hbm>> -> memref<1x1x40x128xi32, #tpu.memory_space<hbm>>
      %dma_start3A_59 = tpu.memref_squeeze %dma_start3A_58 : memref<1x1x40x128xi32, #tpu.memory_space<hbm>> -> memref<40x128xi32, #tpu.memory_space<hbm>>
      tpu.enqueue_dma source(%dma_start3A_59 : memref<40x128xi32, #tpu.memory_space<hbm>>) target(%arg8 : memref<40x128xi32, #tpu.memory_space<vmem>>) target_semaphore(%run_scoped3A_51 : memref<!tpu.dma_semaphore, #tpu.memory_space<semaphore_mem>>)
      %dma_wait3A = arith.constant 0 : i32
      %dma_wait3A_60 = arith.constant 0 : i32
      %dma_wait3A_61 = tpu.memref_slice %arg4[%add3A, %run_scoped3A_5, %dma_wait3A, %dma_wait3A_60] : memref<32x2x40x128xi32, #tpu.memory_space<hbm>> -> memref<1x1x40x128xi32, #tpu.memory_space<hbm>>
      %dma_wait3A_62 = tpu.memref_squeeze %dma_wait3A_61 : memref<1x1x40x128xi32, #tpu.memory_space<hbm>> -> memref<40x128xi32, #tpu.memory_space<hbm>>
      %dma_wait3A_63 = arith.constant 0 : i32
      %dma_wait3A_64 = arith.constant 0 : i32
      %dma_wait3A_65 = tpu.memref_slice %arg4[%add3A, %run_scoped3A_5, %dma_wait3A_63, %dma_wait3A_64] : memref<32x2x40x128xi32, #tpu.memory_space<hbm>> -> memref<1x1x40x128xi32, #tpu.memory_space<hbm>>
      %dma_wait3A_66 = tpu.memref_squeeze %dma_wait3A_65 : memref<1x1x40x128xi32, #tpu.memory_space<hbm>> -> memref<40x128xi32, #tpu.memory_space<hbm>>
      tpu.wait_dma2 semaphore(%run_scoped3A_51 : memref<!tpu.dma_semaphore, #tpu.memory_space<semaphore_mem>>) src(%dma_wait3A_66 : memref<40x128xi32, #tpu.memory_space<hbm>>) dst(%arg8 : memref<40x128xi32, #tpu.memory_space<vmem>>)
      tpu.yield
    }) : () -> ()
    %dma_start3A = arith.constant 0 : i32
    %dma_start3A_6 = arith.constant 0 : i32
    %dma_start3A_7 = tpu.memref_slice %arg7[%dma_start3A, %dma_start3A_6] : memref<40x128xi32, #tpu.memory_space<vmem>> -> memref<1x128xi32, #tpu.memory_space<vmem>>
    %dma_start3A_8 = tpu.memref_squeeze %dma_start3A_7 : memref<1x128xi32, #tpu.memory_space<vmem>> -> memref<128xi32, #tpu.memory_space<vmem>>
    %dma_start3A_9 = arith.constant 0 : i32
    %dma_start3A_10 = arith.constant 0 : i32
    %dma_start3A_11 = tpu.memref_slice %arg2[%dma_start3A_9, %dma_start3A_10] : memref<10000x128xf32, #tpu.memory_space<hbm>> -> memref<10000x128xf32, #tpu.memory_space<hbm>>
    tpu.enqueue_indirect_dma source(%dma_start3A_11 : memref<10000x128xf32, #tpu.memory_space<hbm>>) target(%arg9 : memref<128x128xf32, #tpu.memory_space<vmem>>) offsets(%dma_start3A_8 : memref<128xi32, #tpu.memory_space<vmem>>) semaphore(%arg12 : memref<!tpu.dma_semaphore, #tpu.memory_space<semaphore_mem>>)
    %dma_start3A_12 = arith.constant 1 : i32
    %dma_start3A_13 = arith.constant 0 : i32
    %dma_start3A_14 = tpu.memref_slice %arg7[%dma_start3A_12, %dma_start3A_13] : memref<40x128xi32, #tpu.memory_space<vmem>> -> memref<1x128xi32, #tpu.memory_space<vmem>>
    %dma_start3A_15 = tpu.memref_squeeze %dma_start3A_14 : memref<1x128xi32, #tpu.memory_space<vmem>> -> memref<128xi32, #tpu.memory_space<vmem>>
    %dma_start3A_16 = arith.constant 0 : i32
    %dma_start3A_17 = arith.constant 0 : i32
    %dma_start3A_18 = tpu.memref_slice %arg2[%dma_start3A_16, %dma_start3A_17] : memref<10000x128xf32, #tpu.memory_space<hbm>> -> memref<10000x128xf32, #tpu.memory_space<hbm>>
    tpu.enqueue_indirect_dma source(%dma_start3A_18 : memref<10000x128xf32, #tpu.memory_space<hbm>>) target(%arg10 : memref<128x128xf32, #tpu.memory_space<vmem>>) offsets(%dma_start3A_15 : memref<128xi32, #tpu.memory_space<vmem>>) semaphore(%arg13 : memref<!tpu.dma_semaphore, #tpu.memory_space<semaphore_mem>>)
    %scan3A = arith.constant 0 : i32
    %scan3A_19 = arith.constant 0 : i32
    %scan3A_20 = arith.constant 20 : i32
    %scan3A_21 = arith.addi %scan3A_19, %scan3A_20 : i32
    %scan3A_22 = arith.constant 1 : i32
    scf.for %scan3A_51 = %scan3A_19 to %scan3A_21 step %scan3A_22  : i32 {
      %mul3A_52 = arith.constant 2 : i32
      %mul3A_53 = arith.muli %mul3A_52, %scan3A_51 : i32
      %add3A_54 = arith.constant 1 : i32
      %add3A_55 = arith.addi %mul3A_53, %add3A_54 : i32
      %dma_wait3A = arith.constant 0 : i32
      %dma_wait3A_56 = tpu.memref_slice %arg7[%mul3A_53, %dma_wait3A] : memref<40x128xi32, #tpu.memory_space<vmem>> -> memref<1x128xi32, #tpu.memory_space<vmem>>
      %dma_wait3A_57 = tpu.memref_squeeze %dma_wait3A_56 : memref<1x128xi32, #tpu.memory_space<vmem>> -> memref<128xi32, #tpu.memory_space<vmem>>
      %dma_wait3A_58 = arith.constant 0 : i32
      %dma_wait3A_59 = arith.constant 0 : i32
      %dma_wait3A_60 = tpu.memref_slice %arg2[%dma_wait3A_58, %dma_wait3A_59] : memref<10000x128xf32, #tpu.memory_space<hbm>> -> memref<10000x128xf32, #tpu.memory_space<hbm>>
      tpu.wait_indirect_dma semaphore(%arg12 : memref<!tpu.dma_semaphore, #tpu.memory_space<semaphore_mem>>) src(%dma_wait3A_60 : memref<10000x128xf32, #tpu.memory_space<hbm>>) dst(%arg9 : memref<128x128xf32, #tpu.memory_space<vmem>>)
      "tpu.region"() ({
        %run_scoped3A_78 = tpu.sem_alloc : memref<!tpu.dma_semaphore, #tpu.memory_space<semaphore_mem>>
        %dma_start3A_79 = arith.constant 0 : i32
        %dma_start3A_80 = tpu.memref_slice %arg8[%mul3A_53, %dma_start3A_79] : memref<40x128xi32, #tpu.memory_space<vmem>> -> memref<1x128xi32, #tpu.memory_space<vmem>>
        %dma_start3A_81 = tpu.memref_squeeze %dma_start3A_80 : memref<1x128xi32, #tpu.memory_space<vmem>> -> memref<128xi32, #tpu.memory_space<vmem>>
        %dma_start3A_82 = arith.constant 0 : i32
        %dma_start3A_83 = arith.constant 0 : i32
        %dma_start3A_84 = tpu.memref_slice %arg11[%dma_start3A_82, %dma_start3A_83] : memref<10240x128xf32, #tpu.memory_space<vmem_shared>> -> memref<10240x128xf32, #tpu.memory_space<vmem_shared>>
        tpu.enqueue_indirect_dma source(%arg9 : memref<128x128xf32, #tpu.memory_space<vmem>>) target(%dma_start3A_84 : memref<10240x128xf32, #tpu.memory_space<vmem_shared>>) offsets(%dma_start3A_81 : memref<128xi32, #tpu.memory_space<vmem>>) semaphore(%run_scoped3A_78 : memref<!tpu.dma_semaphore, #tpu.memory_space<semaphore_mem>>) {add = true}
        %dma_wait3A_85 = arith.constant 0 : i32
        %dma_wait3A_86 = tpu.memref_slice %arg8[%mul3A_53, %dma_wait3A_85] : memref<40x128xi32, #tpu.memory_space<vmem>> -> memref<1x128xi32, #tpu.memory_space<vmem>>
        %dma_wait3A_87 = tpu.memref_squeeze %dma_wait3A_86 : memref<1x128xi32, #tpu.memory_space<vmem>> -> memref<128xi32, #tpu.memory_space<vmem>>
        %dma_wait3A_88 = arith.constant 0 : i32
        %dma_wait3A_89 = arith.constant 0 : i32
        %dma_wait3A_90 = tpu.memref_slice %arg11[%dma_wait3A_88, %dma_wait3A_89] : memref<10240x128xf32, #tpu.memory_space<vmem_shared>> -> memref<10240x128xf32, #tpu.memory_space<vmem_shared>>
        tpu.wait_indirect_dma semaphore(%run_scoped3A_78 : memref<!tpu.dma_semaphore, #tpu.memory_space<semaphore_mem>>) src(%arg9 : memref<128x128xf32, #tpu.memory_space<vmem>>) dst(%dma_wait3A_90 : memref<10240x128xf32, #tpu.memory_space<vmem_shared>>)
        tpu.yield
      }) : () -> ()
      %add3A_61 = arith.constant 2 : i32
      %add3A_62 = arith.addi %mul3A_53, %add3A_61 : i32
      %lt3A = arith.constant 40 : i32
      %lt3A_63 = arith.cmpi slt, %add3A_62, %lt3A : i32
      %convert_element_type3A = arith.extui %lt3A_63 : i1 to i32
      %cond3A = arith.constant 0 : i32
      %cond3A_64 = arith.cmpi ne, %convert_element_type3A, %cond3A : i32
      scf.if %cond3A_64 {
        %add3A_78 = arith.constant 2 : i32
        %add3A_79 = arith.addi %mul3A_53, %add3A_78 : i32
        %dma_start3A_80 = arith.constant 0 : i32
        %dma_start3A_81 = tpu.memref_slice %arg7[%add3A_79, %dma_start3A_80] : memref<40x128xi32, #tpu.memory_space<vmem>> -> memref<1x128xi32, #tpu.memory_space<vmem>>
        %dma_start3A_82 = tpu.memref_squeeze %dma_start3A_81 : memref<1x128xi32, #tpu.memory_space<vmem>> -> memref<128xi32, #tpu.memory_space<vmem>>
        %dma_start3A_83 = arith.constant 0 : i32
        %dma_start3A_84 = arith.constant 0 : i32
        %dma_start3A_85 = tpu.memref_slice %arg2[%dma_start3A_83, %dma_start3A_84] : memref<10000x128xf32, #tpu.memory_space<hbm>> -> memref<10000x128xf32, #tpu.memory_space<hbm>>
        tpu.enqueue_indirect_dma source(%dma_start3A_85 : memref<10000x128xf32, #tpu.memory_space<hbm>>) target(%arg9 : memref<128x128xf32, #tpu.memory_space<vmem>>) offsets(%dma_start3A_82 : memref<128xi32, #tpu.memory_space<vmem>>) semaphore(%arg12 : memref<!tpu.dma_semaphore, #tpu.memory_space<semaphore_mem>>)
      } else {
      }
      %dma_wait3A_65 = arith.constant 0 : i32
      %dma_wait3A_66 = tpu.memref_slice %arg7[%add3A_55, %dma_wait3A_65] : memref<40x128xi32, #tpu.memory_space<vmem>> -> memref<1x128xi32, #tpu.memory_space<vmem>>
      %dma_wait3A_67 = tpu.memref_squeeze %dma_wait3A_66 : memref<1x128xi32, #tpu.memory_space<vmem>> -> memref<128xi32, #tpu.memory_space<vmem>>
      %dma_wait3A_68 = arith.constant 0 : i32
      %dma_wait3A_69 = arith.constant 0 : i32
      %dma_wait3A_70 = tpu.memref_slice %arg2[%dma_wait3A_68, %dma_wait3A_69] : memref<10000x128xf32, #tpu.memory_space<hbm>> -> memref<10000x128xf32, #tpu.memory_space<hbm>>
      tpu.wait_indirect_dma semaphore(%arg13 : memref<!tpu.dma_semaphore, #tpu.memory_space<semaphore_mem>>) src(%dma_wait3A_70 : memref<10000x128xf32, #tpu.memory_space<hbm>>) dst(%arg10 : memref<128x128xf32, #tpu.memory_space<vmem>>)
      "tpu.region"() ({
        %run_scoped3A_78 = tpu.sem_alloc : memref<!tpu.dma_semaphore, #tpu.memory_space<semaphore_mem>>
        %dma_start3A_79 = arith.constant 0 : i32
        %dma_start3A_80 = tpu.memref_slice %arg8[%add3A_55, %dma_start3A_79] : memref<40x128xi32, #tpu.memory_space<vmem>> -> memref<1x128xi32, #tpu.memory_space<vmem>>
        %dma_start3A_81 = tpu.memref_squeeze %dma_start3A_80 : memref<1x128xi32, #tpu.memory_space<vmem>> -> memref<128xi32, #tpu.memory_space<vmem>>
        %dma_start3A_82 = arith.constant 0 : i32
        %dma_start3A_83 = arith.constant 0 : i32
        %dma_start3A_84 = tpu.memref_slice %arg11[%dma_start3A_82, %dma_start3A_83] : memref<10240x128xf32, #tpu.memory_space<vmem_shared>> -> memref<10240x128xf32, #tpu.memory_space<vmem_shared>>
        tpu.enqueue_indirect_dma source(%arg10 : memref<128x128xf32, #tpu.memory_space<vmem>>) target(%dma_start3A_84 : memref<10240x128xf32, #tpu.memory_space<vmem_shared>>) offsets(%dma_start3A_81 : memref<128xi32, #tpu.memory_space<vmem>>) semaphore(%run_scoped3A_78 : memref<!tpu.dma_semaphore, #tpu.memory_space<semaphore_mem>>) {add = true}
        %dma_wait3A_85 = arith.constant 0 : i32
        %dma_wait3A_86 = tpu.memref_slice %arg8[%add3A_55, %dma_wait3A_85] : memref<40x128xi32, #tpu.memory_space<vmem>> -> memref<1x128xi32, #tpu.memory_space<vmem>>
        %dma_wait3A_87 = tpu.memref_squeeze %dma_wait3A_86 : memref<1x128xi32, #tpu.memory_space<vmem>> -> memref<128xi32, #tpu.memory_space<vmem>>
        %dma_wait3A_88 = arith.constant 0 : i32
        %dma_wait3A_89 = arith.constant 0 : i32
        %dma_wait3A_90 = tpu.memref_slice %arg11[%dma_wait3A_88, %dma_wait3A_89] : memref<10240x128xf32, #tpu.memory_space<vmem_shared>> -> memref<10240x128xf32, #tpu.memory_space<vmem_shared>>
        tpu.wait_indirect_dma semaphore(%run_scoped3A_78 : memref<!tpu.dma_semaphore, #tpu.memory_space<semaphore_mem>>) src(%arg10 : memref<128x128xf32, #tpu.memory_space<vmem>>) dst(%dma_wait3A_90 : memref<10240x128xf32, #tpu.memory_space<vmem_shared>>)
        tpu.yield
      }) : () -> ()
      %add3A_71 = arith.constant 2 : i32
      %add3A_72 = arith.addi %add3A_55, %add3A_71 : i32
      %lt3A_73 = arith.constant 40 : i32
      %lt3A_74 = arith.cmpi slt, %add3A_72, %lt3A_73 : i32
      %convert_element_type3A_75 = arith.extui %lt3A_74 : i1 to i32
      %cond3A_76 = arith.constant 0 : i32
      %cond3A_77 = arith.cmpi ne, %convert_element_type3A_75, %cond3A_76 : i32
      scf.if %cond3A_77 {
        %add3A_78 = arith.constant 2 : i32
        %add3A_79 = arith.addi %add3A_55, %add3A_78 : i32
        %dma_start3A_80 = arith.constant 0 : i32
        %dma_start3A_81 = tpu.memref_slice %arg7[%add3A_79, %dma_start3A_80] : memref<40x128xi32, #tpu.memory_space<vmem>> -> memref<1x128xi32, #tpu.memory_space<vmem>>
        %dma_start3A_82 = tpu.memref_squeeze %dma_start3A_81 : memref<1x128xi32, #tpu.memory_space<vmem>> -> memref<128xi32, #tpu.memory_space<vmem>>
        %dma_start3A_83 = arith.constant 0 : i32
        %dma_start3A_84 = arith.constant 0 : i32
        %dma_start3A_85 = tpu.memref_slice %arg2[%dma_start3A_83, %dma_start3A_84] : memref<10000x128xf32, #tpu.memory_space<hbm>> -> memref<10000x128xf32, #tpu.memory_space<hbm>>
        tpu.enqueue_indirect_dma source(%dma_start3A_85 : memref<10000x128xf32, #tpu.memory_space<hbm>>) target(%arg10 : memref<128x128xf32, #tpu.memory_space<vmem>>) offsets(%dma_start3A_82 : memref<128xi32, #tpu.memory_space<vmem>>) semaphore(%arg13 : memref<!tpu.dma_semaphore, #tpu.memory_space<semaphore_mem>>)
      } else {
      }
    }
    %scan3A_23 = arith.constant 20 : i32
    %run_scoped3A_24 = arith.constant 1 : i32
    "tpu.region"() ({
      %run_scoped3A_51 = tpu.sem_alloc : memref<!tpu.dma_semaphore, #tpu.memory_space<semaphore_mem>>
      %dma_start3A_52 = arith.constant 0 : i32
      %dma_start3A_53 = arith.constant 0 : i32
      %dma_start3A_54 = tpu.memref_slice %arg3[%add3A, %run_scoped3A_24, %dma_start3A_52, %dma_start3A_53] : memref<32x2x40x128xi32, #tpu.memory_space<hbm>> -> memref<1x1x40x128xi32, #tpu.memory_space<hbm>>
      %dma_start3A_55 = tpu.memref_squeeze %dma_start3A_54 : memref<1x1x40x128xi32, #tpu.memory_space<hbm>> -> memref<40x128xi32, #tpu.memory_space<hbm>>
      %dma_start3A_56 = arith.constant 0 : i32
      %dma_start3A_57 = arith.constant 0 : i32
      %dma_start3A_58 = tpu.memref_slice %arg3[%add3A, %run_scoped3A_24, %dma_start3A_56, %dma_start3A_57] : memref<32x2x40x128xi32, #tpu.memory_space<hbm>> -> memref<1x1x40x128xi32, #tpu.memory_space<hbm>>
      %dma_start3A_59 = tpu.memref_squeeze %dma_start3A_58 : memref<1x1x40x128xi32, #tpu.memory_space<hbm>> -> memref<40x128xi32, #tpu.memory_space<hbm>>
      tpu.enqueue_dma source(%dma_start3A_59 : memref<40x128xi32, #tpu.memory_space<hbm>>) target(%arg7 : memref<40x128xi32, #tpu.memory_space<vmem>>) target_semaphore(%run_scoped3A_51 : memref<!tpu.dma_semaphore, #tpu.memory_space<semaphore_mem>>)
      %dma_wait3A = arith.constant 0 : i32
      %dma_wait3A_60 = arith.constant 0 : i32
      %dma_wait3A_61 = tpu.memref_slice %arg3[%add3A, %run_scoped3A_24, %dma_wait3A, %dma_wait3A_60] : memref<32x2x40x128xi32, #tpu.memory_space<hbm>> -> memref<1x1x40x128xi32, #tpu.memory_space<hbm>>
      %dma_wait3A_62 = tpu.memref_squeeze %dma_wait3A_61 : memref<1x1x40x128xi32, #tpu.memory_space<hbm>> -> memref<40x128xi32, #tpu.memory_space<hbm>>
      %dma_wait3A_63 = arith.constant 0 : i32
      %dma_wait3A_64 = arith.constant 0 : i32
      %dma_wait3A_65 = tpu.memref_slice %arg3[%add3A, %run_scoped3A_24, %dma_wait3A_63, %dma_wait3A_64] : memref<32x2x40x128xi32, #tpu.memory_space<hbm>> -> memref<1x1x40x128xi32, #tpu.memory_space<hbm>>
      %dma_wait3A_66 = tpu.memref_squeeze %dma_wait3A_65 : memref<1x1x40x128xi32, #tpu.memory_space<hbm>> -> memref<40x128xi32, #tpu.memory_space<hbm>>
      tpu.wait_dma2 semaphore(%run_scoped3A_51 : memref<!tpu.dma_semaphore, #tpu.memory_space<semaphore_mem>>) src(%dma_wait3A_66 : memref<40x128xi32, #tpu.memory_space<hbm>>) dst(%arg7 : memref<40x128xi32, #tpu.memory_space<vmem>>)
      tpu.yield
    }) : () -> ()
    %run_scoped3A_25 = arith.constant 1 : i32
    "tpu.region"() ({
      %run_scoped3A_51 = tpu.sem_alloc : memref<!tpu.dma_semaphore, #tpu.memory_space<semaphore_mem>>
      %dma_start3A_52 = arith.constant 0 : i32
      %dma_start3A_53 = arith.constant 0 : i32
      %dma_start3A_54 = tpu.memref_slice %arg4[%add3A, %run_scoped3A_25, %dma_start3A_52, %dma_start3A_53] : memref<32x2x40x128xi32, #tpu.memory_space<hbm>> -> memref<1x1x40x128xi32, #tpu.memory_space<hbm>>
      %dma_start3A_55 = tpu.memref_squeeze %dma_start3A_54 : memref<1x1x40x128xi32, #tpu.memory_space<hbm>> -> memref<40x128xi32, #tpu.memory_space<hbm>>
      %dma_start3A_56 = arith.constant 0 : i32
      %dma_start3A_57 = arith.constant 0 : i32
      %dma_start3A_58 = tpu.memref_slice %arg4[%add3A, %run_scoped3A_25, %dma_start3A_56, %dma_start3A_57] : memref<32x2x40x128xi32, #tpu.memory_space<hbm>> -> memref<1x1x40x128xi32, #tpu.memory_space<hbm>>
      %dma_start3A_59 = tpu.memref_squeeze %dma_start3A_58 : memref<1x1x40x128xi32, #tpu.memory_space<hbm>> -> memref<40x128xi32, #tpu.memory_space<hbm>>
      tpu.enqueue_dma source(%dma_start3A_59 : memref<40x128xi32, #tpu.memory_space<hbm>>) target(%arg8 : memref<40x128xi32, #tpu.memory_space<vmem>>) target_semaphore(%run_scoped3A_51 : memref<!tpu.dma_semaphore, #tpu.memory_space<semaphore_mem>>)
      %dma_wait3A = arith.constant 0 : i32
      %dma_wait3A_60 = arith.constant 0 : i32
      %dma_wait3A_61 = tpu.memref_slice %arg4[%add3A, %run_scoped3A_25, %dma_wait3A, %dma_wait3A_60] : memref<32x2x40x128xi32, #tpu.memory_space<hbm>> -> memref<1x1x40x128xi32, #tpu.memory_space<hbm>>
      %dma_wait3A_62 = tpu.memref_squeeze %dma_wait3A_61 : memref<1x1x40x128xi32, #tpu.memory_space<hbm>> -> memref<40x128xi32, #tpu.memory_space<hbm>>
      %dma_wait3A_63 = arith.constant 0 : i32
      %dma_wait3A_64 = arith.constant 0 : i32
      %dma_wait3A_65 = tpu.memref_slice %arg4[%add3A, %run_scoped3A_25, %dma_wait3A_63, %dma_wait3A_64] : memref<32x2x40x128xi32, #tpu.memory_space<hbm>> -> memref<1x1x40x128xi32, #tpu.memory_space<hbm>>
      %dma_wait3A_66 = tpu.memref_squeeze %dma_wait3A_65 : memref<1x1x40x128xi32, #tpu.memory_space<hbm>> -> memref<40x128xi32, #tpu.memory_space<hbm>>
      tpu.wait_dma2 semaphore(%run_scoped3A_51 : memref<!tpu.dma_semaphore, #tpu.memory_space<semaphore_mem>>) src(%dma_wait3A_66 : memref<40x128xi32, #tpu.memory_space<hbm>>) dst(%arg8 : memref<40x128xi32, #tpu.memory_space<vmem>>)
      tpu.yield
    }) : () -> ()
    %dma_start3A_26 = arith.constant 0 : i32
    %dma_start3A_27 = arith.constant 0 : i32
    %dma_start3A_28 = tpu.memref_slice %arg7[%dma_start3A_26, %dma_start3A_27] : memref<40x128xi32, #tpu.memory_space<vmem>> -> memref<1x128xi32, #tpu.memory_space<vmem>>
    %dma_start3A_29 = tpu.memref_squeeze %dma_start3A_28 : memref<1x128xi32, #tpu.memory_space<vmem>> -> memref<128xi32, #tpu.memory_space<vmem>>
    %dma_start3A_30 = arith.constant 0 : i32
    %dma_start3A_31 = arith.constant 0 : i32
    %dma_start3A_32 = tpu.memref_slice %arg2[%dma_start3A_30, %dma_start3A_31] : memref<10000x128xf32, #tpu.memory_space<hbm>> -> memref<10000x128xf32, #tpu.memory_space<hbm>>
    tpu.enqueue_indirect_dma source(%dma_start3A_32 : memref<10000x128xf32, #tpu.memory_space<hbm>>) target(%arg9 : memref<128x128xf32, #tpu.memory_space<vmem>>) offsets(%dma_start3A_29 : memref<128xi32, #tpu.memory_space<vmem>>) semaphore(%arg12 : memref<!tpu.dma_semaphore, #tpu.memory_space<semaphore_mem>>)
    %dma_start3A_33 = arith.constant 1 : i32
    %dma_start3A_34 = arith.constant 0 : i32
    %dma_start3A_35 = tpu.memref_slice %arg7[%dma_start3A_33, %dma_start3A_34] : memref<40x128xi32, #tpu.memory_space<vmem>> -> memref<1x128xi32, #tpu.memory_space<vmem>>
    %dma_start3A_36 = tpu.memref_squeeze %dma_start3A_35 : memref<1x128xi32, #tpu.memory_space<vmem>> -> memref<128xi32, #tpu.memory_space<vmem>>
    %dma_start3A_37 = arith.constant 0 : i32
    %dma_start3A_38 = arith.constant 0 : i32
    %dma_start3A_39 = tpu.memref_slice %arg2[%dma_start3A_37, %dma_start3A_38] : memref<10000x128xf32, #tpu.memory_space<hbm>> -> memref<10000x128xf32, #tpu.memory_space<hbm>>
    tpu.enqueue_indirect_dma source(%dma_start3A_39 : memref<10000x128xf32, #tpu.memory_space<hbm>>) target(%arg10 : memref<128x128xf32, #tpu.memory_space<vmem>>) offsets(%dma_start3A_36 : memref<128xi32, #tpu.memory_space<vmem>>) semaphore(%arg13 : memref<!tpu.dma_semaphore, #tpu.memory_space<semaphore_mem>>)
    %scan3A_40 = arith.constant 0 : i32
    %scan3A_41 = arith.constant 0 : i32
    %scan3A_42 = arith.constant 20 : i32
    %scan3A_43 = arith.addi %scan3A_41, %scan3A_42 : i32
    %scan3A_44 = arith.constant 1 : i32
    scf.for %scan3A_51 = %scan3A_41 to %scan3A_43 step %scan3A_44  : i32 {
      %mul3A_52 = arith.constant 2 : i32
      %mul3A_53 = arith.muli %mul3A_52, %scan3A_51 : i32
      %add3A_54 = arith.constant 1 : i32
      %add3A_55 = arith.addi %mul3A_53, %add3A_54 : i32
      %dma_wait3A = arith.constant 0 : i32
      %dma_wait3A_56 = tpu.memref_slice %arg7[%mul3A_53, %dma_wait3A] : memref<40x128xi32, #tpu.memory_space<vmem>> -> memref<1x128xi32, #tpu.memory_space<vmem>>
      %dma_wait3A_57 = tpu.memref_squeeze %dma_wait3A_56 : memref<1x128xi32, #tpu.memory_space<vmem>> -> memref<128xi32, #tpu.memory_space<vmem>>
      %dma_wait3A_58 = arith.constant 0 : i32
      %dma_wait3A_59 = arith.constant 0 : i32
      %dma_wait3A_60 = tpu.memref_slice %arg2[%dma_wait3A_58, %dma_wait3A_59] : memref<10000x128xf32, #tpu.memory_space<hbm>> -> memref<10000x128xf32, #tpu.memory_space<hbm>>
      tpu.wait_indirect_dma semaphore(%arg12 : memref<!tpu.dma_semaphore, #tpu.memory_space<semaphore_mem>>) src(%dma_wait3A_60 : memref<10000x128xf32, #tpu.memory_space<hbm>>) dst(%arg9 : memref<128x128xf32, #tpu.memory_space<vmem>>)
      "tpu.region"() ({
        %run_scoped3A_78 = tpu.sem_alloc : memref<!tpu.dma_semaphore, #tpu.memory_space<semaphore_mem>>
        %dma_start3A_79 = arith.constant 0 : i32
        %dma_start3A_80 = tpu.memref_slice %arg8[%mul3A_53, %dma_start3A_79] : memref<40x128xi32, #tpu.memory_space<vmem>> -> memref<1x128xi32, #tpu.memory_space<vmem>>
        %dma_start3A_81 = tpu.memref_squeeze %dma_start3A_80 : memref<1x128xi32, #tpu.memory_space<vmem>> -> memref<128xi32, #tpu.memory_space<vmem>>
        %dma_start3A_82 = arith.constant 0 : i32
        %dma_start3A_83 = arith.constant 0 : i32
        %dma_start3A_84 = tpu.memref_slice %arg11[%dma_start3A_82, %dma_start3A_83] : memref<10240x128xf32, #tpu.memory_space<vmem_shared>> -> memref<10240x128xf32, #tpu.memory_space<vmem_shared>>
        tpu.enqueue_indirect_dma source(%arg9 : memref<128x128xf32, #tpu.memory_space<vmem>>) target(%dma_start3A_84 : memref<10240x128xf32, #tpu.memory_space<vmem_shared>>) offsets(%dma_start3A_81 : memref<128xi32, #tpu.memory_space<vmem>>) semaphore(%run_scoped3A_78 : memref<!tpu.dma_semaphore, #tpu.memory_space<semaphore_mem>>) {add = true}
        %dma_wait3A_85 = arith.constant 0 : i32
        %dma_wait3A_86 = tpu.memref_slice %arg8[%mul3A_53, %dma_wait3A_85] : memref<40x128xi32, #tpu.memory_space<vmem>> -> memref<1x128xi32, #tpu.memory_space<vmem>>
        %dma_wait3A_87 = tpu.memref_squeeze %dma_wait3A_86 : memref<1x128xi32, #tpu.memory_space<vmem>> -> memref<128xi32, #tpu.memory_space<vmem>>
        %dma_wait3A_88 = arith.constant 0 : i32
        %dma_wait3A_89 = arith.constant 0 : i32
        %dma_wait3A_90 = tpu.memref_slice %arg11[%dma_wait3A_88, %dma_wait3A_89] : memref<10240x128xf32, #tpu.memory_space<vmem_shared>> -> memref<10240x128xf32, #tpu.memory_space<vmem_shared>>
        tpu.wait_indirect_dma semaphore(%run_scoped3A_78 : memref<!tpu.dma_semaphore, #tpu.memory_space<semaphore_mem>>) src(%arg9 : memref<128x128xf32, #tpu.memory_space<vmem>>) dst(%dma_wait3A_90 : memref<10240x128xf32, #tpu.memory_space<vmem_shared>>)
        tpu.yield
      }) : () -> ()
      %add3A_61 = arith.constant 2 : i32
      %add3A_62 = arith.addi %mul3A_53, %add3A_61 : i32
      %lt3A = arith.constant 40 : i32
      %lt3A_63 = arith.cmpi slt, %add3A_62, %lt3A : i32
      %convert_element_type3A = arith.extui %lt3A_63 : i1 to i32
      %cond3A = arith.constant 0 : i32
      %cond3A_64 = arith.cmpi ne, %convert_element_type3A, %cond3A : i32
      scf.if %cond3A_64 {
        %add3A_78 = arith.constant 2 : i32
        %add3A_79 = arith.addi %mul3A_53, %add3A_78 : i32
        %dma_start3A_80 = arith.constant 0 : i32
        %dma_start3A_81 = tpu.memref_slice %arg7[%add3A_79, %dma_start3A_80] : memref<40x128xi32, #tpu.memory_space<vmem>> -> memref<1x128xi32, #tpu.memory_space<vmem>>
        %dma_start3A_82 = tpu.memref_squeeze %dma_start3A_81 : memref<1x128xi32, #tpu.memory_space<vmem>> -> memref<128xi32, #tpu.memory_space<vmem>>
        %dma_start3A_83 = arith.constant 0 : i32
        %dma_start3A_84 = arith.constant 0 : i32
        %dma_start3A_85 = tpu.memref_slice %arg2[%dma_start3A_83, %dma_start3A_84] : memref<10000x128xf32, #tpu.memory_space<hbm>> -> memref<10000x128xf32, #tpu.memory_space<hbm>>
        tpu.enqueue_indirect_dma source(%dma_start3A_85 : memref<10000x128xf32, #tpu.memory_space<hbm>>) target(%arg9 : memref<128x128xf32, #tpu.memory_space<vmem>>) offsets(%dma_start3A_82 : memref<128xi32, #tpu.memory_space<vmem>>) semaphore(%arg12 : memref<!tpu.dma_semaphore, #tpu.memory_space<semaphore_mem>>)
      } else {
      }
      %dma_wait3A_65 = arith.constant 0 : i32
      %dma_wait3A_66 = tpu.memref_slice %arg7[%add3A_55, %dma_wait3A_65] : memref<40x128xi32, #tpu.memory_space<vmem>> -> memref<1x128xi32, #tpu.memory_space<vmem>>
      %dma_wait3A_67 = tpu.memref_squeeze %dma_wait3A_66 : memref<1x128xi32, #tpu.memory_space<vmem>> -> memref<128xi32, #tpu.memory_space<vmem>>
      %dma_wait3A_68 = arith.constant 0 : i32
      %dma_wait3A_69 = arith.constant 0 : i32
      %dma_wait3A_70 = tpu.memref_slice %arg2[%dma_wait3A_68, %dma_wait3A_69] : memref<10000x128xf32, #tpu.memory_space<hbm>> -> memref<10000x128xf32, #tpu.memory_space<hbm>>
      tpu.wait_indirect_dma semaphore(%arg13 : memref<!tpu.dma_semaphore, #tpu.memory_space<semaphore_mem>>) src(%dma_wait3A_70 : memref<10000x128xf32, #tpu.memory_space<hbm>>) dst(%arg10 : memref<128x128xf32, #tpu.memory_space<vmem>>)
      "tpu.region"() ({
        %run_scoped3A_78 = tpu.sem_alloc : memref<!tpu.dma_semaphore, #tpu.memory_space<semaphore_mem>>
        %dma_start3A_79 = arith.constant 0 : i32
        %dma_start3A_80 = tpu.memref_slice %arg8[%add3A_55, %dma_start3A_79] : memref<40x128xi32, #tpu.memory_space<vmem>> -> memref<1x128xi32, #tpu.memory_space<vmem>>
        %dma_start3A_81 = tpu.memref_squeeze %dma_start3A_80 : memref<1x128xi32, #tpu.memory_space<vmem>> -> memref<128xi32, #tpu.memory_space<vmem>>
        %dma_start3A_82 = arith.constant 0 : i32
        %dma_start3A_83 = arith.constant 0 : i32
        %dma_start3A_84 = tpu.memref_slice %arg11[%dma_start3A_82, %dma_start3A_83] : memref<10240x128xf32, #tpu.memory_space<vmem_shared>> -> memref<10240x128xf32, #tpu.memory_space<vmem_shared>>
        tpu.enqueue_indirect_dma source(%arg10 : memref<128x128xf32, #tpu.memory_space<vmem>>) target(%dma_start3A_84 : memref<10240x128xf32, #tpu.memory_space<vmem_shared>>) offsets(%dma_start3A_81 : memref<128xi32, #tpu.memory_space<vmem>>) semaphore(%run_scoped3A_78 : memref<!tpu.dma_semaphore, #tpu.memory_space<semaphore_mem>>) {add = true}
        %dma_wait3A_85 = arith.constant 0 : i32
        %dma_wait3A_86 = tpu.memref_slice %arg8[%add3A_55, %dma_wait3A_85] : memref<40x128xi32, #tpu.memory_space<vmem>> -> memref<1x128xi32, #tpu.memory_space<vmem>>
        %dma_wait3A_87 = tpu.memref_squeeze %dma_wait3A_86 : memref<1x128xi32, #tpu.memory_space<vmem>> -> memref<128xi32, #tpu.memory_space<vmem>>
        %dma_wait3A_88 = arith.constant 0 : i32
        %dma_wait3A_89 = arith.constant 0 : i32
        %dma_wait3A_90 = tpu.memref_slice %arg11[%dma_wait3A_88, %dma_wait3A_89] : memref<10240x128xf32, #tpu.memory_space<vmem_shared>> -> memref<10240x128xf32, #tpu.memory_space<vmem_shared>>
        tpu.wait_indirect_dma semaphore(%run_scoped3A_78 : memref<!tpu.dma_semaphore, #tpu.memory_space<semaphore_mem>>) src(%arg10 : memref<128x128xf32, #tpu.memory_space<vmem>>) dst(%dma_wait3A_90 : memref<10240x128xf32, #tpu.memory_space<vmem_shared>>)
        tpu.yield
      }) : () -> ()
      %add3A_71 = arith.constant 2 : i32
      %add3A_72 = arith.addi %add3A_55, %add3A_71 : i32
      %lt3A_73 = arith.constant 40 : i32
      %lt3A_74 = arith.cmpi slt, %add3A_72, %lt3A_73 : i32
      %convert_element_type3A_75 = arith.extui %lt3A_74 : i1 to i32
      %cond3A_76 = arith.constant 0 : i32
      %cond3A_77 = arith.cmpi ne, %convert_element_type3A_75, %cond3A_76 : i32
      scf.if %cond3A_77 {
        %add3A_78 = arith.constant 2 : i32
        %add3A_79 = arith.addi %add3A_55, %add3A_78 : i32
        %dma_start3A_80 = arith.constant 0 : i32
        %dma_start3A_81 = tpu.memref_slice %arg7[%add3A_79, %dma_start3A_80] : memref<40x128xi32, #tpu.memory_space<vmem>> -> memref<1x128xi32, #tpu.memory_space<vmem>>
        %dma_start3A_82 = tpu.memref_squeeze %dma_start3A_81 : memref<1x128xi32, #tpu.memory_space<vmem>> -> memref<128xi32, #tpu.memory_space<vmem>>
        %dma_start3A_83 = arith.constant 0 : i32
        %dma_start3A_84 = arith.constant 0 : i32
        %dma_start3A_85 = tpu.memref_slice %arg2[%dma_start3A_83, %dma_start3A_84] : memref<10000x128xf32, #tpu.memory_space<hbm>> -> memref<10000x128xf32, #tpu.memory_space<hbm>>
        tpu.enqueue_indirect_dma source(%dma_start3A_85 : memref<10000x128xf32, #tpu.memory_space<hbm>>) target(%arg10 : memref<128x128xf32, #tpu.memory_space<vmem>>) offsets(%dma_start3A_82 : memref<128xi32, #tpu.memory_space<vmem>>) semaphore(%arg13 : memref<!tpu.dma_semaphore, #tpu.memory_space<semaphore_mem>>)
      } else {
      }
    }
    %scan3A_45 = arith.constant 20 : i32
    %barrier3A_46 = arith.constant 0 : index
    tpu.barrier barrier_id(%barrier3A_46)
    %mul3A_47 = arith.constant 640 : i32
    %mul3A_48 = arith.muli %arg1, %mul3A_47 : i32
    %mul3A_49 = arith.constant 640 : i32
    %mul3A_50 = arith.muli %arg1, %mul3A_49 : i32
    "tpu.region"() ({
      %run_scoped3A_51 = tpu.sem_alloc : memref<!tpu.dma_semaphore, #tpu.memory_space<semaphore_mem>>
      %dma_start3A_52 = arith.constant 0 : i32
      %dma_start3A_53 = tpu.memref_slice %arg6[%arg0, %mul3A_50, %dma_start3A_52] : memref<2x10240x128xf32, #tpu.memory_space<hbm>> -> memref<1x640x128xf32, #tpu.memory_space<hbm>>
      %dma_start3A_54 = tpu.memref_squeeze %dma_start3A_53 : memref<1x640x128xf32, #tpu.memory_space<hbm>> -> memref<640x128xf32, #tpu.memory_space<hbm>>
      %dma_start3A_55 = arith.constant 0 : i32
      %dma_start3A_56 = tpu.memref_slice %arg11[%mul3A_48, %dma_start3A_55] : memref<10240x128xf32, #tpu.memory_space<vmem_shared>> -> memref<640x128xf32, #tpu.memory_space<vmem_shared>>
      tpu.enqueue_dma source(%dma_start3A_56 : memref<640x128xf32, #tpu.memory_space<vmem_shared>>) target(%dma_start3A_54 : memref<640x128xf32, #tpu.memory_space<hbm>>) target_semaphore(%run_scoped3A_51 : memref<!tpu.dma_semaphore, #tpu.memory_space<semaphore_mem>>)
      %dma_wait3A = arith.constant 0 : i32
      %dma_wait3A_57 = tpu.memref_slice %arg6[%arg0, %mul3A_50, %dma_wait3A] : memref<2x10240x128xf32, #tpu.memory_space<hbm>> -> memref<1x640x128xf32, #tpu.memory_space<hbm>>
      %dma_wait3A_58 = tpu.memref_squeeze %dma_wait3A_57 : memref<1x640x128xf32, #tpu.memory_space<hbm>> -> memref<640x128xf32, #tpu.memory_space<hbm>>
      %dma_wait3A_59 = arith.constant 0 : i32
      %dma_wait3A_60 = tpu.memref_slice %arg11[%mul3A_48, %dma_wait3A_59] : memref<10240x128xf32, #tpu.memory_space<vmem_shared>> -> memref<640x128xf32, #tpu.memory_space<vmem_shared>>
      tpu.wait_dma2 semaphore(%run_scoped3A_51 : memref<!tpu.dma_semaphore, #tpu.memory_space<semaphore_mem>>) src(%dma_wait3A_60 : memref<640x128xf32, #tpu.memory_space<vmem_shared>>) dst(%dma_wait3A_58 : memref<640x128xf32, #tpu.memory_space<hbm>>)
      tpu.yield
    }) : () -> ()
    return
  }
}

#map = affine_map<(d0, d1) -> (0, 0, 0, 0)>
#map1 = affine_map<(d0, d1) -> (0, 0)>
#map2 = affine_map<(d0, d1) -> (0, 0, 0)>
module attributes {stable_mosaic.version = 14 : i64} {
  func.func @_deg_kernel(%arg0: i32, %arg1: i32, %arg2: memref<32x2x40x128xi32, #tpu.memory_space<hbm>>, %arg3: memref<10240x128xf32, #tpu.memory_space<hbm>>, %arg4: memref<2x10240x128xf32, #tpu.memory_space<hbm>>, %arg5: memref<80x128xi32, #tpu.memory_space<vmem>>, %arg6: memref<128x128xf32, #tpu.memory_space<vmem>>, %arg7: memref<10240x128xf32, #tpu.memory_space<vmem_shared>>) attributes {dimension_semantics = [#tpu.dimension_semantics<core_parallel>, #tpu.dimension_semantics<subcore_parallel>], iteration_bounds = array<i64: 2, 16>, scalar_prefetch = 0 : i64, scratch_operands = 3 : i64, tpu.core_type = #tpu.core_type<sc_vector_subcore>, window_params = [{transform_indices = #map}, {transform_indices = #map1}, {transform_indices = #map2}]} {
    %mul3A = arith.constant 16 : i32
    %mul3A_0 = arith.muli %arg0, %mul3A : i32
    %add3A = arith.addi %mul3A_0, %arg1 : i32
    %run_scoped3A = arith.constant 0 : i32
    "tpu.region"() ({
      %run_scoped3A_22 = tpu.sem_alloc : memref<!tpu.dma_semaphore, #tpu.memory_space<semaphore_mem>>
      %dma_start3A = arith.constant 0 : i32
      %dma_start3A_23 = arith.constant 0 : i32
      %dma_start3A_24 = tpu.memref_slice %arg5[%dma_start3A, %dma_start3A_23] : memref<80x128xi32, #tpu.memory_space<vmem>> -> memref<40x128xi32, #tpu.memory_space<vmem>>
      %dma_start3A_25 = arith.constant 0 : i32
      %dma_start3A_26 = arith.constant 0 : i32
      %dma_start3A_27 = tpu.memref_slice %arg2[%add3A, %run_scoped3A, %dma_start3A_25, %dma_start3A_26] : memref<32x2x40x128xi32, #tpu.memory_space<hbm>> -> memref<1x1x40x128xi32, #tpu.memory_space<hbm>>
      %dma_start3A_28 = tpu.memref_squeeze %dma_start3A_27 : memref<1x1x40x128xi32, #tpu.memory_space<hbm>> -> memref<40x128xi32, #tpu.memory_space<hbm>>
      %dma_start3A_29 = arith.constant 0 : i32
      %dma_start3A_30 = arith.constant 0 : i32
      %dma_start3A_31 = tpu.memref_slice %arg5[%dma_start3A_29, %dma_start3A_30] : memref<80x128xi32, #tpu.memory_space<vmem>> -> memref<40x128xi32, #tpu.memory_space<vmem>>
      %dma_start3A_32 = arith.constant 0 : i32
      %dma_start3A_33 = arith.constant 0 : i32
      %dma_start3A_34 = tpu.memref_slice %arg2[%add3A, %run_scoped3A, %dma_start3A_32, %dma_start3A_33] : memref<32x2x40x128xi32, #tpu.memory_space<hbm>> -> memref<1x1x40x128xi32, #tpu.memory_space<hbm>>
      %dma_start3A_35 = tpu.memref_squeeze %dma_start3A_34 : memref<1x1x40x128xi32, #tpu.memory_space<hbm>> -> memref<40x128xi32, #tpu.memory_space<hbm>>
      tpu.enqueue_dma source(%dma_start3A_35 : memref<40x128xi32, #tpu.memory_space<hbm>>) target(%dma_start3A_31 : memref<40x128xi32, #tpu.memory_space<vmem>>) target_semaphore(%run_scoped3A_22 : memref<!tpu.dma_semaphore, #tpu.memory_space<semaphore_mem>>)
      %dma_wait3A = arith.constant 0 : i32
      %dma_wait3A_36 = arith.constant 0 : i32
      %dma_wait3A_37 = tpu.memref_slice %arg5[%dma_wait3A, %dma_wait3A_36] : memref<80x128xi32, #tpu.memory_space<vmem>> -> memref<40x128xi32, #tpu.memory_space<vmem>>
      %dma_wait3A_38 = arith.constant 0 : i32
      %dma_wait3A_39 = arith.constant 0 : i32
      %dma_wait3A_40 = tpu.memref_slice %arg2[%add3A, %run_scoped3A, %dma_wait3A_38, %dma_wait3A_39] : memref<32x2x40x128xi32, #tpu.memory_space<hbm>> -> memref<1x1x40x128xi32, #tpu.memory_space<hbm>>
      %dma_wait3A_41 = tpu.memref_squeeze %dma_wait3A_40 : memref<1x1x40x128xi32, #tpu.memory_space<hbm>> -> memref<40x128xi32, #tpu.memory_space<hbm>>
      %dma_wait3A_42 = arith.constant 0 : i32
      %dma_wait3A_43 = arith.constant 0 : i32
      %dma_wait3A_44 = tpu.memref_slice %arg5[%dma_wait3A_42, %dma_wait3A_43] : memref<80x128xi32, #tpu.memory_space<vmem>> -> memref<40x128xi32, #tpu.memory_space<vmem>>
      %dma_wait3A_45 = arith.constant 0 : i32
      %dma_wait3A_46 = arith.constant 0 : i32
      %dma_wait3A_47 = tpu.memref_slice %arg2[%add3A, %run_scoped3A, %dma_wait3A_45, %dma_wait3A_46] : memref<32x2x40x128xi32, #tpu.memory_space<hbm>> -> memref<1x1x40x128xi32, #tpu.memory_space<hbm>>
      %dma_wait3A_48 = tpu.memref_squeeze %dma_wait3A_47 : memref<1x1x40x128xi32, #tpu.memory_space<hbm>> -> memref<40x128xi32, #tpu.memory_space<hbm>>
      tpu.wait_dma2 semaphore(%run_scoped3A_22 : memref<!tpu.dma_semaphore, #tpu.memory_space<semaphore_mem>>) src(%dma_wait3A_48 : memref<40x128xi32, #tpu.memory_space<hbm>>) dst(%dma_wait3A_44 : memref<40x128xi32, #tpu.memory_space<vmem>>)
      tpu.yield
    }) : () -> ()
    %run_scoped3A_1 = arith.constant 1 : i32
    "tpu.region"() ({
      %run_scoped3A_22 = tpu.sem_alloc : memref<!tpu.dma_semaphore, #tpu.memory_space<semaphore_mem>>
      %dma_start3A = arith.constant 40 : i32
      %dma_start3A_23 = arith.constant 0 : i32
      %dma_start3A_24 = tpu.memref_slice %arg5[%dma_start3A, %dma_start3A_23] : memref<80x128xi32, #tpu.memory_space<vmem>> -> memref<40x128xi32, #tpu.memory_space<vmem>>
      %dma_start3A_25 = arith.constant 0 : i32
      %dma_start3A_26 = arith.constant 0 : i32
      %dma_start3A_27 = tpu.memref_slice %arg2[%add3A, %run_scoped3A_1, %dma_start3A_25, %dma_start3A_26] : memref<32x2x40x128xi32, #tpu.memory_space<hbm>> -> memref<1x1x40x128xi32, #tpu.memory_space<hbm>>
      %dma_start3A_28 = tpu.memref_squeeze %dma_start3A_27 : memref<1x1x40x128xi32, #tpu.memory_space<hbm>> -> memref<40x128xi32, #tpu.memory_space<hbm>>
      %dma_start3A_29 = arith.constant 40 : i32
      %dma_start3A_30 = arith.constant 0 : i32
      %dma_start3A_31 = tpu.memref_slice %arg5[%dma_start3A_29, %dma_start3A_30] : memref<80x128xi32, #tpu.memory_space<vmem>> -> memref<40x128xi32, #tpu.memory_space<vmem>>
      %dma_start3A_32 = arith.constant 0 : i32
      %dma_start3A_33 = arith.constant 0 : i32
      %dma_start3A_34 = tpu.memref_slice %arg2[%add3A, %run_scoped3A_1, %dma_start3A_32, %dma_start3A_33] : memref<32x2x40x128xi32, #tpu.memory_space<hbm>> -> memref<1x1x40x128xi32, #tpu.memory_space<hbm>>
      %dma_start3A_35 = tpu.memref_squeeze %dma_start3A_34 : memref<1x1x40x128xi32, #tpu.memory_space<hbm>> -> memref<40x128xi32, #tpu.memory_space<hbm>>
      tpu.enqueue_dma source(%dma_start3A_35 : memref<40x128xi32, #tpu.memory_space<hbm>>) target(%dma_start3A_31 : memref<40x128xi32, #tpu.memory_space<vmem>>) target_semaphore(%run_scoped3A_22 : memref<!tpu.dma_semaphore, #tpu.memory_space<semaphore_mem>>)
      %dma_wait3A = arith.constant 40 : i32
      %dma_wait3A_36 = arith.constant 0 : i32
      %dma_wait3A_37 = tpu.memref_slice %arg5[%dma_wait3A, %dma_wait3A_36] : memref<80x128xi32, #tpu.memory_space<vmem>> -> memref<40x128xi32, #tpu.memory_space<vmem>>
      %dma_wait3A_38 = arith.constant 0 : i32
      %dma_wait3A_39 = arith.constant 0 : i32
      %dma_wait3A_40 = tpu.memref_slice %arg2[%add3A, %run_scoped3A_1, %dma_wait3A_38, %dma_wait3A_39] : memref<32x2x40x128xi32, #tpu.memory_space<hbm>> -> memref<1x1x40x128xi32, #tpu.memory_space<hbm>>
      %dma_wait3A_41 = tpu.memref_squeeze %dma_wait3A_40 : memref<1x1x40x128xi32, #tpu.memory_space<hbm>> -> memref<40x128xi32, #tpu.memory_space<hbm>>
      %dma_wait3A_42 = arith.constant 40 : i32
      %dma_wait3A_43 = arith.constant 0 : i32
      %dma_wait3A_44 = tpu.memref_slice %arg5[%dma_wait3A_42, %dma_wait3A_43] : memref<80x128xi32, #tpu.memory_space<vmem>> -> memref<40x128xi32, #tpu.memory_space<vmem>>
      %dma_wait3A_45 = arith.constant 0 : i32
      %dma_wait3A_46 = arith.constant 0 : i32
      %dma_wait3A_47 = tpu.memref_slice %arg2[%add3A, %run_scoped3A_1, %dma_wait3A_45, %dma_wait3A_46] : memref<32x2x40x128xi32, #tpu.memory_space<hbm>> -> memref<1x1x40x128xi32, #tpu.memory_space<hbm>>
      %dma_wait3A_48 = tpu.memref_squeeze %dma_wait3A_47 : memref<1x1x40x128xi32, #tpu.memory_space<hbm>> -> memref<40x128xi32, #tpu.memory_space<hbm>>
      tpu.wait_dma2 semaphore(%run_scoped3A_22 : memref<!tpu.dma_semaphore, #tpu.memory_space<semaphore_mem>>) src(%dma_wait3A_48 : memref<40x128xi32, #tpu.memory_space<hbm>>) dst(%dma_wait3A_44 : memref<40x128xi32, #tpu.memory_space<vmem>>)
      tpu.yield
    }) : () -> ()
    %scan3A = arith.constant 0 : i32
    %scan3A_2 = arith.constant 0 : i32
    %scan3A_3 = arith.constant 128 : i32
    %scan3A_4 = arith.addi %scan3A_2, %scan3A_3 : i32
    %scan3A_5 = arith.constant 1 : i32
    scf.for %scan3A_22 = %scan3A_2 to %scan3A_4 step %scan3A_5  : i32 {
      %broadcast_in_dim3A = arith.constant 1.000000e+00 : f32
      %broadcast_in_dim3A_23 = vector.broadcast %broadcast_in_dim3A : f32 to vector<16xf32>
      %swap3A = arith.index_cast %scan3A_22 : i32 to index
      %swap3A_24 = arith.constant 0 : index
      %swap3A_25 = tpu.vector_load %arg6[%swap3A, %swap3A_24] {strides = array<i32>} : memref<128x128xf32, #tpu.memory_space<vmem>>, vector<1x16xf32>,
      %swap3A_26 = vector.shape_cast %swap3A_25 : vector<1x16xf32> to vector<16xf32>
      %swap3A_27 = vector.shape_cast %broadcast_in_dim3A_23 : vector<16xf32> to vector<1x16xf32>
      tpu.vector_store %arg6[%swap3A, %swap3A_24], %swap3A_27 {strides = array<i32>} : memref<128x128xf32, #tpu.memory_space<vmem>>, vector<1x16xf32>,
      %broadcast_in_dim3A_28 = arith.constant 1.000000e+00 : f32
      %broadcast_in_dim3A_29 = vector.broadcast %broadcast_in_dim3A_28 : f32 to vector<16xf32>
      %swap3A_30 = arith.index_cast %scan3A_22 : i32 to index
      %swap3A_31 = arith.constant 16 : index
      %swap3A_32 = tpu.vector_load %arg6[%swap3A_30, %swap3A_31] {strides = array<i32>} : memref<128x128xf32, #tpu.memory_space<vmem>>, vector<1x16xf32>,
      %swap3A_33 = vector.shape_cast %swap3A_32 : vector<1x16xf32> to vector<16xf32>
      %swap3A_34 = vector.shape_cast %broadcast_in_dim3A_29 : vector<16xf32> to vector<1x16xf32>
      tpu.vector_store %arg6[%swap3A_30, %swap3A_31], %swap3A_34 {strides = array<i32>} : memref<128x128xf32, #tpu.memory_space<vmem>>, vector<1x16xf32>,
      %broadcast_in_dim3A_35 = arith.constant 1.000000e+00 : f32
      %broadcast_in_dim3A_36 = vector.broadcast %broadcast_in_dim3A_35 : f32 to vector<16xf32>
      %swap3A_37 = arith.index_cast %scan3A_22 : i32 to index
      %swap3A_38 = arith.constant 32 : index
      %swap3A_39 = tpu.vector_load %arg6[%swap3A_37, %swap3A_38] {strides = array<i32>} : memref<128x128xf32, #tpu.memory_space<vmem>>, vector<1x16xf32>,
      %swap3A_40 = vector.shape_cast %swap3A_39 : vector<1x16xf32> to vector<16xf32>
      %swap3A_41 = vector.shape_cast %broadcast_in_dim3A_36 : vector<16xf32> to vector<1x16xf32>
      tpu.vector_store %arg6[%swap3A_37, %swap3A_38], %swap3A_41 {strides = array<i32>} : memref<128x128xf32, #tpu.memory_space<vmem>>, vector<1x16xf32>,
      %broadcast_in_dim3A_42 = arith.constant 1.000000e+00 : f32
      %broadcast_in_dim3A_43 = vector.broadcast %broadcast_in_dim3A_42 : f32 to vector<16xf32>
      %swap3A_44 = arith.index_cast %scan3A_22 : i32 to index
      %swap3A_45 = arith.constant 48 : index
      %swap3A_46 = tpu.vector_load %arg6[%swap3A_44, %swap3A_45] {strides = array<i32>} : memref<128x128xf32, #tpu.memory_space<vmem>>, vector<1x16xf32>,
      %swap3A_47 = vector.shape_cast %swap3A_46 : vector<1x16xf32> to vector<16xf32>
      %swap3A_48 = vector.shape_cast %broadcast_in_dim3A_43 : vector<16xf32> to vector<1x16xf32>
      tpu.vector_store %arg6[%swap3A_44, %swap3A_45], %swap3A_48 {strides = array<i32>} : memref<128x128xf32, #tpu.memory_space<vmem>>, vector<1x16xf32>,
      %broadcast_in_dim3A_49 = arith.constant 1.000000e+00 : f32
      %broadcast_in_dim3A_50 = vector.broadcast %broadcast_in_dim3A_49 : f32 to vector<16xf32>
      %swap3A_51 = arith.index_cast %scan3A_22 : i32 to index
      %swap3A_52 = arith.constant 64 : index
      %swap3A_53 = tpu.vector_load %arg6[%swap3A_51, %swap3A_52] {strides = array<i32>} : memref<128x128xf32, #tpu.memory_space<vmem>>, vector<1x16xf32>,
      %swap3A_54 = vector.shape_cast %swap3A_53 : vector<1x16xf32> to vector<16xf32>
      %swap3A_55 = vector.shape_cast %broadcast_in_dim3A_50 : vector<16xf32> to vector<1x16xf32>
      tpu.vector_store %arg6[%swap3A_51, %swap3A_52], %swap3A_55 {strides = array<i32>} : memref<128x128xf32, #tpu.memory_space<vmem>>, vector<1x16xf32>,
      %broadcast_in_dim3A_56 = arith.constant 1.000000e+00 : f32
      %broadcast_in_dim3A_57 = vector.broadcast %broadcast_in_dim3A_56 : f32 to vector<16xf32>
      %swap3A_58 = arith.index_cast %scan3A_22 : i32 to index
      %swap3A_59 = arith.constant 80 : index
      %swap3A_60 = tpu.vector_load %arg6[%swap3A_58, %swap3A_59] {strides = array<i32>} : memref<128x128xf32, #tpu.memory_space<vmem>>, vector<1x16xf32>,
      %swap3A_61 = vector.shape_cast %swap3A_60 : vector<1x16xf32> to vector<16xf32>
      %swap3A_62 = vector.shape_cast %broadcast_in_dim3A_57 : vector<16xf32> to vector<1x16xf32>
      tpu.vector_store %arg6[%swap3A_58, %swap3A_59], %swap3A_62 {strides = array<i32>} : memref<128x128xf32, #tpu.memory_space<vmem>>, vector<1x16xf32>,
      %broadcast_in_dim3A_63 = arith.constant 1.000000e+00 : f32
      %broadcast_in_dim3A_64 = vector.broadcast %broadcast_in_dim3A_63 : f32 to vector<16xf32>
      %swap3A_65 = arith.index_cast %scan3A_22 : i32 to index
      %swap3A_66 = arith.constant 96 : index
      %swap3A_67 = tpu.vector_load %arg6[%swap3A_65, %swap3A_66] {strides = array<i32>} : memref<128x128xf32, #tpu.memory_space<vmem>>, vector<1x16xf32>,
      %swap3A_68 = vector.shape_cast %swap3A_67 : vector<1x16xf32> to vector<16xf32>
      %swap3A_69 = vector.shape_cast %broadcast_in_dim3A_64 : vector<16xf32> to vector<1x16xf32>
      tpu.vector_store %arg6[%swap3A_65, %swap3A_66], %swap3A_69 {strides = array<i32>} : memref<128x128xf32, #tpu.memory_space<vmem>>, vector<1x16xf32>,
      %broadcast_in_dim3A_70 = arith.constant 1.000000e+00 : f32
      %broadcast_in_dim3A_71 = vector.broadcast %broadcast_in_dim3A_70 : f32 to vector<16xf32>
      %swap3A_72 = arith.index_cast %scan3A_22 : i32 to index
      %swap3A_73 = arith.constant 112 : index
      %swap3A_74 = tpu.vector_load %arg6[%swap3A_72, %swap3A_73] {strides = array<i32>} : memref<128x128xf32, #tpu.memory_space<vmem>>, vector<1x16xf32>,
      %swap3A_75 = vector.shape_cast %swap3A_74 : vector<1x16xf32> to vector<16xf32>
      %swap3A_76 = vector.shape_cast %broadcast_in_dim3A_71 : vector<16xf32> to vector<1x16xf32>
      tpu.vector_store %arg6[%swap3A_72, %swap3A_73], %swap3A_76 {strides = array<i32>} : memref<128x128xf32, #tpu.memory_space<vmem>>, vector<1x16xf32>,
    }
    %scan3A_6 = arith.constant 128 : i32
    %mul3A_7 = arith.constant 640 : i32
    %mul3A_8 = arith.muli %arg1, %mul3A_7 : i32
    %mul3A_9 = arith.constant 640 : i32
    %mul3A_10 = arith.muli %arg1, %mul3A_9 : i32
    "tpu.region"() ({
      %run_scoped3A_22 = tpu.sem_alloc : memref<!tpu.dma_semaphore, #tpu.memory_space<semaphore_mem>>
      %dma_start3A = arith.constant 0 : i32
      %dma_start3A_23 = tpu.memref_slice %arg7[%mul3A_10, %dma_start3A] : memref<10240x128xf32, #tpu.memory_space<vmem_shared>> -> memref<640x128xf32, #tpu.memory_space<vmem_shared>>
      %dma_start3A_24 = arith.constant 0 : i32
      %dma_start3A_25 = tpu.memref_slice %arg3[%mul3A_8, %dma_start3A_24] : memref<10240x128xf32, #tpu.memory_space<hbm>> -> memref<640x128xf32, #tpu.memory_space<hbm>>
      tpu.enqueue_dma source(%dma_start3A_25 : memref<640x128xf32, #tpu.memory_space<hbm>>) target(%dma_start3A_23 : memref<640x128xf32, #tpu.memory_space<vmem_shared>>) target_semaphore(%run_scoped3A_22 : memref<!tpu.dma_semaphore, #tpu.memory_space<semaphore_mem>>)
      %dma_wait3A = arith.constant 0 : i32
      %dma_wait3A_26 = tpu.memref_slice %arg7[%mul3A_10, %dma_wait3A] : memref<10240x128xf32, #tpu.memory_space<vmem_shared>> -> memref<640x128xf32, #tpu.memory_space<vmem_shared>>
      %dma_wait3A_27 = arith.constant 0 : i32
      %dma_wait3A_28 = tpu.memref_slice %arg3[%mul3A_8, %dma_wait3A_27] : memref<10240x128xf32, #tpu.memory_space<hbm>> -> memref<640x128xf32, #tpu.memory_space<hbm>>
      tpu.wait_dma2 semaphore(%run_scoped3A_22 : memref<!tpu.dma_semaphore, #tpu.memory_space<semaphore_mem>>) src(%dma_wait3A_28 : memref<640x128xf32, #tpu.memory_space<hbm>>) dst(%dma_wait3A_26 : memref<640x128xf32, #tpu.memory_space<vmem_shared>>)
      tpu.yield
    }) : () -> ()
    %barrier3A = arith.constant 0 : index
    tpu.barrier barrier_id(%barrier3A)
    %scan3A_11 = arith.constant 0 : i32
    %scan3A_12 = arith.constant 0 : i32
    %scan3A_13 = arith.constant 80 : i32
    %scan3A_14 = arith.addi %scan3A_12, %scan3A_13 : i32
    %scan3A_15 = arith.constant 1 : i32
    scf.for %scan3A_22 = %scan3A_12 to %scan3A_14 step %scan3A_15  : i32 {
      "tpu.region"() ({
        %run_scoped3A_23 = tpu.sem_alloc : memref<!tpu.dma_semaphore, #tpu.memory_space<semaphore_mem>>
        %dma_start3A = arith.constant 0 : i32
        %dma_start3A_24 = tpu.memref_slice %arg5[%scan3A_22, %dma_start3A] : memref<80x128xi32, #tpu.memory_space<vmem>> -> memref<1x128xi32, #tpu.memory_space<vmem>>
        %dma_start3A_25 = tpu.memref_squeeze %dma_start3A_24 : memref<1x128xi32, #tpu.memory_space<vmem>> -> memref<128xi32, #tpu.memory_space<vmem>>
        %dma_start3A_26 = arith.constant 0 : i32
        %dma_start3A_27 = arith.constant 0 : i32
        %dma_start3A_28 = tpu.memref_slice %arg7[%dma_start3A_26, %dma_start3A_27] : memref<10240x128xf32, #tpu.memory_space<vmem_shared>> -> memref<10240x128xf32, #tpu.memory_space<vmem_shared>>
        tpu.enqueue_indirect_dma source(%arg6 : memref<128x128xf32, #tpu.memory_space<vmem>>) target(%dma_start3A_28 : memref<10240x128xf32, #tpu.memory_space<vmem_shared>>) offsets(%dma_start3A_25 : memref<128xi32, #tpu.memory_space<vmem>>) semaphore(%run_scoped3A_23 : memref<!tpu.dma_semaphore, #tpu.memory_space<semaphore_mem>>) {add = true}
        %dma_wait3A = arith.constant 0 : i32
        %dma_wait3A_29 = tpu.memref_slice %arg5[%scan3A_22, %dma_wait3A] : memref<80x128xi32, #tpu.memory_space<vmem>> -> memref<1x128xi32, #tpu.memory_space<vmem>>
        %dma_wait3A_30 = tpu.memref_squeeze %dma_wait3A_29 : memref<1x128xi32, #tpu.memory_space<vmem>> -> memref<128xi32, #tpu.memory_space<vmem>>
        %dma_wait3A_31 = arith.constant 0 : i32
        %dma_wait3A_32 = arith.constant 0 : i32
        %dma_wait3A_33 = tpu.memref_slice %arg7[%dma_wait3A_31, %dma_wait3A_32] : memref<10240x128xf32, #tpu.memory_space<vmem_shared>> -> memref<10240x128xf32, #tpu.memory_space<vmem_shared>>
        tpu.wait_indirect_dma semaphore(%run_scoped3A_23 : memref<!tpu.dma_semaphore, #tpu.memory_space<semaphore_mem>>) src(%arg6 : memref<128x128xf32, #tpu.memory_space<vmem>>) dst(%dma_wait3A_33 : memref<10240x128xf32, #tpu.memory_space<vmem_shared>>)
        tpu.yield
      }) : () -> ()
    }
    %scan3A_16 = arith.constant 80 : i32
    %barrier3A_17 = arith.constant 0 : index
    tpu.barrier barrier_id(%barrier3A_17)
    %mul3A_18 = arith.constant 640 : i32
    %mul3A_19 = arith.muli %arg1, %mul3A_18 : i32
    %mul3A_20 = arith.constant 640 : i32
    %mul3A_21 = arith.muli %arg1, %mul3A_20 : i32
    "tpu.region"() ({
      %run_scoped3A_22 = tpu.sem_alloc : memref<!tpu.dma_semaphore, #tpu.memory_space<semaphore_mem>>
      %dma_start3A = arith.constant 0 : i32
      %dma_start3A_23 = tpu.memref_slice %arg4[%arg0, %mul3A_21, %dma_start3A] : memref<2x10240x128xf32, #tpu.memory_space<hbm>> -> memref<1x640x128xf32, #tpu.memory_space<hbm>>
      %dma_start3A_24 = tpu.memref_squeeze %dma_start3A_23 : memref<1x640x128xf32, #tpu.memory_space<hbm>> -> memref<640x128xf32, #tpu.memory_space<hbm>>
      %dma_start3A_25 = arith.constant 0 : i32
      %dma_start3A_26 = tpu.memref_slice %arg7[%mul3A_19, %dma_start3A_25] : memref<10240x128xf32, #tpu.memory_space<vmem_shared>> -> memref<640x128xf32, #tpu.memory_space<vmem_shared>>
      tpu.enqueue_dma source(%dma_start3A_26 : memref<640x128xf32, #tpu.memory_space<vmem_shared>>) target(%dma_start3A_24 : memref<640x128xf32, #tpu.memory_space<hbm>>) target_semaphore(%run_scoped3A_22 : memref<!tpu.dma_semaphore, #tpu.memory_space<semaphore_mem>>)
      %dma_wait3A = arith.constant 0 : i32
      %dma_wait3A_27 = tpu.memref_slice %arg4[%arg0, %mul3A_21, %dma_wait3A] : memref<2x10240x128xf32, #tpu.memory_space<hbm>> -> memref<1x640x128xf32, #tpu.memory_space<hbm>>
      %dma_wait3A_28 = tpu.memref_squeeze %dma_wait3A_27 : memref<1x640x128xf32, #tpu.memory_space<hbm>> -> memref<640x128xf32, #tpu.memory_space<hbm>>
      %dma_wait3A_29 = arith.constant 0 : i32
      %dma_wait3A_30 = tpu.memref_slice %arg7[%mul3A_19, %dma_wait3A_29] : memref<10240x128xf32, #tpu.memory_space<vmem_shared>> -> memref<640x128xf32, #tpu.memory_space<vmem_shared>>
      tpu.wait_dma2 semaphore(%run_scoped3A_22 : memref<!tpu.dma_semaphore, #tpu.memory_space<semaphore_mem>>) src(%dma_wait3A_30 : memref<640x128xf32, #tpu.memory_space<vmem_shared>>) dst(%dma_wait3A_28 : memref<640x128xf32, #tpu.memory_space<hbm>>)
      tpu.yield
    }) : () -> ()
    return
  }
}

module attributes {stable_mosaic.version = 14 : i64} {
  func.func @_scale_body(%arg0: i32, %arg1: memref<1000x128xf32, #tpu.memory_space<vmem>>, %arg2: memref<2x1000x128xf32, #tpu.memory_space<vmem>>, %arg3: memref<1000x128xf32, #tpu.memory_space<vmem>>) attributes {dimension_semantics = [#tpu.dimension_semantics<arbitrary>], iteration_bounds = array<i64: 10>, scalar_prefetch = 0 : i64, scratch_operands = 0 : i64, tpu.core_type = #tpu.core_type<tc>, window_params = [{transform_indices = @transform_0, window_bounds = array<i64: 1000, 128>}, {transform_indices = @transform_1, window_bounds = array<i64: 2, 1000, 128>}, {transform_indices = @transform_2, window_bounds = array<i64: 1000, 128>}]} {
    %get3A = arith.constant 0 : index
    %get3A_0 = arith.constant 0 : index
    %get3A_1 = arith.constant 0 : index
    %get3A_2 = vector.load %arg2[%get3A, %get3A_0, %get3A_1] : memref<2x1000x128xf32, #tpu.memory_space<vmem>>, vector<1x1000x1xf32>
    %get3A_3 = vector.shape_cast %get3A_2 : vector<1x1000x1xf32> to vector<1000x1xf32>
    %get3A_4 = arith.constant 1 : index
    %get3A_5 = arith.constant 0 : index
    %get3A_6 = arith.constant 0 : index
    %get3A_7 = vector.load %arg2[%get3A_4, %get3A_5, %get3A_6] : memref<2x1000x128xf32, #tpu.memory_space<vmem>>, vector<1x1000x1xf32>
    %get3A_8 = vector.shape_cast %get3A_7 : vector<1x1000x1xf32> to vector<1000x1xf32>
    %add3A = arith.addf %get3A_3, %get3A_8 : vector<1000x1xf32>
    %add3A_9 = arith.constant 1.000000e+00 : f32
    %add3A_10 = vector.broadcast %add3A_9 : f32 to vector<1000x1xf32>
    %add3A_11 = arith.addf %add3A, %add3A_10 : vector<1000x1xf32>
    %rsqrt3A = math.rsqrt %add3A_11 : vector<1000x1xf32>
    %get3A_12 = arith.constant 0 : index
    %get3A_13 = arith.constant 0 : index
    %get3A_14 = vector.load %arg1[%get3A_12, %get3A_13] : memref<1000x128xf32, #tpu.memory_space<vmem>>, vector<1000x128xf32>
    %mul3A = vector.broadcast %rsqrt3A : vector<1000x1xf32> to vector<1000x128xf32>
    %mul3A_15 = arith.mulf %get3A_14, %mul3A : vector<1000x128xf32>
    %swap3A = arith.constant 0 : index
    %swap3A_16 = arith.constant 0 : index
    %swap3A_17 = vector.load %arg3[%swap3A, %swap3A_16] : memref<1000x128xf32, #tpu.memory_space<vmem>>, vector<1000x128xf32>
    tpu.vector_store %arg3[%swap3A, %swap3A_16], %mul3A_15 {strides = array<i32>} : memref<1000x128xf32, #tpu.memory_space<vmem>>, vector<1000x128xf32>,
    return
  }
  func.func @transform_0(%arg0: i32) -> (i32, i32) {
    %c0_i32 = arith.constant 0 : i32
    %c0_i32_0 = arith.constant 0 : i32
    return %arg0, %c0_i32 : i32, i32
  }
  func.func @transform_1(%arg0: i32) -> (i32, i32, i32) {
    %c0_i32 = arith.constant 0 : i32
    %c0_i32_0 = arith.constant 0 : i32
    %c0_i32_1 = arith.constant 0 : i32
    return %c0_i32, %arg0, %c0_i32_0 : i32, i32, i32
  }
  func.func @transform_2(%arg0: i32) -> (i32, i32) {
    %c0_i32 = arith.constant 0 : i32
    %c0_i32_0 = arith.constant 0 : i32
    return %arg0, %c0_i32 : i32, i32
  }
}

module attributes {stable_mosaic.version = 14 : i64} {
  func.func @_final_body(%arg0: i32, %arg1: memref<2x1000x128xf32, #tpu.memory_space<vmem>>, %arg2: memref<1000x128xf32, #tpu.memory_space<vmem>>, %arg3: memref<2x1000x128xf32, #tpu.memory_space<vmem>>, %arg4: memref<128x128xf32, #tpu.memory_space<vmem>>, %arg5: memref<1x128xf32, #tpu.memory_space<vmem>>, %arg6: memref<1x128xf32, #tpu.memory_space<vmem>>, %arg7: memref<1x128xf32, #tpu.memory_space<vmem>>, %arg8: memref<128x128xf32, #tpu.memory_space<vmem>>, %arg9: memref<1x128xf32, #tpu.memory_space<vmem>>, %arg10: memref<1000x128xf32, #tpu.memory_space<vmem>>) attributes {dimension_semantics = [#tpu.dimension_semantics<arbitrary>], iteration_bounds = array<i64: 10>, scalar_prefetch = 0 : i64, scratch_operands = 0 : i64, tpu.core_type = #tpu.core_type<tc>, window_params = [{transform_indices = @transform_0, window_bounds = array<i64: 2, 1000, 128>}, {transform_indices = @transform_1, window_bounds = array<i64: 1000, 128>}, {transform_indices = @transform_2, window_bounds = array<i64: 2, 1000, 128>}, {pipeline_mode = #tpu.pipeline_mode<synchronous>, transform_indices = @transform_3, window_bounds = array<i64: 128, 128>}, {pipeline_mode = #tpu.pipeline_mode<synchronous>, transform_indices = @transform_4, window_bounds = array<i64: 1, 128>}, {pipeline_mode = #tpu.pipeline_mode<synchronous>, transform_indices = @transform_5, window_bounds = array<i64: 1, 128>}, {pipeline_mode = #tpu.pipeline_mode<synchronous>, transform_indices = @transform_6, window_bounds = array<i64: 1, 128>}, {pipeline_mode = #tpu.pipeline_mode<synchronous>, transform_indices = @transform_7, window_bounds = array<i64: 128, 128>}, {pipeline_mode = #tpu.pipeline_mode<synchronous>, transform_indices = @transform_8, window_bounds = array<i64: 1, 128>}, {transform_indices = @transform_9, window_bounds = array<i64: 1000, 128>}]} {
    %get3A = arith.constant 0 : index
    %get3A_0 = arith.constant 0 : index
    %get3A_1 = vector.load %arg2[%get3A, %get3A_0] : memref<1000x128xf32, #tpu.memory_space<vmem>>, vector<1000x128xf32>
    %get3A_2 = arith.constant 0 : index
    %get3A_3 = arith.constant 0 : index
    %get3A_4 = arith.constant 0 : index
    %get3A_5 = vector.load %arg1[%get3A_2, %get3A_3, %get3A_4] : memref<2x1000x128xf32, #tpu.memory_space<vmem>>, vector<1x1000x128xf32>
    %get3A_6 = vector.shape_cast %get3A_5 : vector<1x1000x128xf32> to vector<1000x128xf32>
    %get3A_7 = arith.constant 1 : index
    %get3A_8 = arith.constant 0 : index
    %get3A_9 = arith.constant 0 : index
    %get3A_10 = vector.load %arg1[%get3A_7, %get3A_8, %get3A_9] : memref<2x1000x128xf32, #tpu.memory_space<vmem>>, vector<1x1000x128xf32>
    %get3A_11 = vector.shape_cast %get3A_10 : vector<1x1000x128xf32> to vector<1000x128xf32>
    %add3A = arith.addf %get3A_6, %get3A_11 : vector<1000x128xf32>
    %add3A_12 = arith.addf %add3A, %get3A_1 : vector<1000x128xf32>
    %get3A_13 = arith.constant 0 : index
    %get3A_14 = arith.constant 0 : index
    %get3A_15 = arith.constant 0 : index
    %get3A_16 = vector.load %arg3[%get3A_13, %get3A_14, %get3A_15] : memref<2x1000x128xf32, #tpu.memory_space<vmem>>, vector<1x1000x1xf32>
    %get3A_17 = vector.shape_cast %get3A_16 : vector<1x1000x1xf32> to vector<1000x1xf32>
    %get3A_18 = arith.constant 1 : index
    %get3A_19 = arith.constant 0 : index
    %get3A_20 = arith.constant 0 : index
    %get3A_21 = vector.load %arg3[%get3A_18, %get3A_19, %get3A_20] : memref<2x1000x128xf32, #tpu.memory_space<vmem>>, vector<1x1000x1xf32>
    %get3A_22 = vector.shape_cast %get3A_21 : vector<1x1000x1xf32> to vector<1000x1xf32>
    %add3A_23 = arith.addf %get3A_17, %get3A_22 : vector<1000x1xf32>
    %add3A_24 = arith.constant 1.000000e+00 : f32
    %add3A_25 = vector.broadcast %add3A_24 : f32 to vector<1000x1xf32>
    %add3A_26 = arith.addf %add3A_23, %add3A_25 : vector<1000x1xf32>
    %rsqrt3A = math.rsqrt %add3A_26 : vector<1000x1xf32>
    %mul3A = vector.broadcast %rsqrt3A : vector<1000x1xf32> to vector<1000x128xf32>
    %mul3A_27 = arith.mulf %add3A_12, %mul3A : vector<1000x128xf32>
    %get3A_28 = arith.constant 0 : index
    %get3A_29 = arith.constant 0 : index
    %get3A_30 = vector.load %arg4[%get3A_28, %get3A_29] : memref<128x128xf32, #tpu.memory_space<vmem>>, vector<128x128xf32>
    %dot_general3A = arith.constant dense<0.000000e+00> : vector<1000x128xf32>
    %dot_general3A_31 = tpu.matmul %mul3A_27, %get3A_30, %dot_general3A {dimension_numbers = #tpu.dot_dimension_numbers<[1], [0], [0], [1], [0, 0, 1, 1], [], []>, precision = #tpu.contract_precision<fp32>, transpose_lhs_hint = false} : vector<1000x128xf32>, vector<128x128xf32>, vector<1000x128xf32> -> vector<1000x128xf32>
    %get3A_32 = arith.constant 0 : index
    %get3A_33 = arith.constant 0 : index
    %get3A_34 = vector.load %arg5[%get3A_32, %get3A_33] : memref<1x128xf32, #tpu.memory_space<vmem>>, vector<1x128xf32>
    %add3A_35 = vector.broadcast %get3A_34 : vector<1x128xf32> to vector<1000x128xf32>
    %add3A_36 = arith.addf %dot_general3A_31, %add3A_35 : vector<1000x128xf32>
    %max3A = arith.constant 0.000000e+00 : f32
    %max3A_37 = vector.broadcast %max3A : f32 to vector<1000x128xf32>
    %max3A_38 = arith.maximumf %add3A_36, %max3A_37 : vector<1000x128xf32>
    %reduce_sum3A = arith.constant dense<0.000000e+00> : vector<1000xf32>
    %reduce_sum3A_39 = vector.multi_reduction <add>, %max3A_38, %reduce_sum3A [1] : vector<1000x128xf32> to vector<1000xf32>
    %broadcast_in_dim3A = vector.shape_cast %reduce_sum3A_39 : vector<1000xf32> to vector<1000x1xf32>
    %div3A = arith.constant 1.280000e+02 : f32
    %div3A_40 = vector.broadcast %div3A : f32 to vector<1000x1xf32>
    %div3A_41 = arith.divf %broadcast_in_dim3A, %div3A_40 : vector<1000x1xf32>
    %sub3A = vector.broadcast %div3A_41 : vector<1000x1xf32> to vector<1000x128xf32>
    %sub3A_42 = arith.subf %max3A_38, %sub3A : vector<1000x128xf32>
    %sub3A_43 = vector.broadcast %div3A_41 : vector<1000x1xf32> to vector<1000x128xf32>
    %sub3A_44 = arith.subf %max3A_38, %sub3A_43 : vector<1000x128xf32>
    %mul3A_45 = arith.mulf %sub3A_42, %sub3A_44 : vector<1000x128xf32>
    %reduce_sum3A_46 = arith.constant dense<0.000000e+00> : vector<1000xf32>
    %reduce_sum3A_47 = vector.multi_reduction <add>, %mul3A_45, %reduce_sum3A_46 [1] : vector<1000x128xf32> to vector<1000xf32>
    %broadcast_in_dim3A_48 = vector.shape_cast %reduce_sum3A_47 : vector<1000xf32> to vector<1000x1xf32>
    %div3A_49 = arith.constant 1.280000e+02 : f32
    %div3A_50 = vector.broadcast %div3A_49 : f32 to vector<1000x1xf32>
    %div3A_51 = arith.divf %broadcast_in_dim3A_48, %div3A_50 : vector<1000x1xf32>
    %sub3A_52 = vector.broadcast %div3A_41 : vector<1000x1xf32> to vector<1000x128xf32>
    %sub3A_53 = arith.subf %max3A_38, %sub3A_52 : vector<1000x128xf32>
    %add3A_54 = arith.constant 9.99999974E-6 : f32
    %add3A_55 = vector.broadcast %add3A_54 : f32 to vector<1000x1xf32>
    %add3A_56 = arith.addf %div3A_51, %add3A_55 : vector<1000x1xf32>
    %rsqrt3A_57 = math.rsqrt %add3A_56 : vector<1000x1xf32>
    %mul3A_58 = vector.broadcast %rsqrt3A_57 : vector<1000x1xf32> to vector<1000x128xf32>
    %mul3A_59 = arith.mulf %sub3A_53, %mul3A_58 : vector<1000x128xf32>
    %get3A_60 = arith.constant 0 : index
    %get3A_61 = arith.constant 0 : index
    %get3A_62 = vector.load %arg6[%get3A_60, %get3A_61] : memref<1x128xf32, #tpu.memory_space<vmem>>, vector<1x128xf32>
    %mul3A_63 = vector.broadcast %get3A_62 : vector<1x128xf32> to vector<1000x128xf32>
    %mul3A_64 = arith.mulf %mul3A_59, %mul3A_63 : vector<1000x128xf32>
    %get3A_65 = arith.constant 0 : index
    %get3A_66 = arith.constant 0 : index
    %get3A_67 = vector.load %arg7[%get3A_65, %get3A_66] : memref<1x128xf32, #tpu.memory_space<vmem>>, vector<1x128xf32>
    %add3A_68 = vector.broadcast %get3A_67 : vector<1x128xf32> to vector<1000x128xf32>
    %add3A_69 = arith.addf %mul3A_64, %add3A_68 : vector<1000x128xf32>
    %get3A_70 = arith.constant 0 : index
    %get3A_71 = arith.constant 0 : index
    %get3A_72 = vector.load %arg8[%get3A_70, %get3A_71] : memref<128x128xf32, #tpu.memory_space<vmem>>, vector<128x128xf32>
    %dot_general3A_73 = arith.constant dense<0.000000e+00> : vector<1000x128xf32>
    %dot_general3A_74 = tpu.matmul %add3A_69, %get3A_72, %dot_general3A_73 {dimension_numbers = #tpu.dot_dimension_numbers<[1], [0], [0], [1], [0, 0, 1, 1], [], []>, precision = #tpu.contract_precision<fp32>, transpose_lhs_hint = false} : vector<1000x128xf32>, vector<128x128xf32>, vector<1000x128xf32> -> vector<1000x128xf32>
    %get3A_75 = arith.constant 0 : index
    %get3A_76 = arith.constant 0 : index
    %get3A_77 = vector.load %arg9[%get3A_75, %get3A_76] : memref<1x128xf32, #tpu.memory_space<vmem>>, vector<1x128xf32>
    %add3A_78 = vector.broadcast %get3A_77 : vector<1x128xf32> to vector<1000x128xf32>
    %add3A_79 = arith.addf %dot_general3A_74, %add3A_78 : vector<1000x128xf32>
    %swap3A = arith.constant 0 : index
    %swap3A_80 = arith.constant 0 : index
    %swap3A_81 = vector.load %arg10[%swap3A, %swap3A_80] : memref<1000x128xf32, #tpu.memory_space<vmem>>, vector<1000x128xf32>
    tpu.vector_store %arg10[%swap3A, %swap3A_80], %add3A_79 {strides = array<i32>} : memref<1000x128xf32, #tpu.memory_space<vmem>>, vector<1000x128xf32>,
    return
  }
  func.func @transform_0(%arg0: i32) -> (i32, i32, i32) {
    %c0_i32 = arith.constant 0 : i32
    %c0_i32_0 = arith.constant 0 : i32
    %c0_i32_1 = arith.constant 0 : i32
    return %c0_i32, %arg0, %c0_i32_0 : i32, i32, i32
  }
  func.func @transform_1(%arg0: i32) -> (i32, i32) {
    %c0_i32 = arith.constant 0 : i32
    %c0_i32_0 = arith.constant 0 : i32
    return %arg0, %c0_i32 : i32, i32
  }
  func.func @transform_2(%arg0: i32) -> (i32, i32, i32) {
    %c0_i32 = arith.constant 0 : i32
    %c0_i32_0 = arith.constant 0 : i32
    %c0_i32_1 = arith.constant 0 : i32
    return %c0_i32, %arg0, %c0_i32_0 : i32, i32, i32
  }
  func.func @transform_3(%arg0: i32) -> (i32, i32) {
    %c0_i32 = arith.constant 0 : i32
    %c0_i32_0 = arith.constant 0 : i32
    %c0_i32_1 = arith.constant 0 : i32
    return %c0_i32, %c0_i32_0 : i32, i32
  }
  func.func @transform_4(%arg0: i32) -> (i32, i32) {
    %c0_i32 = arith.constant 0 : i32
    %c0_i32_0 = arith.constant 0 : i32
    %c0_i32_1 = arith.constant 0 : i32
    return %c0_i32, %c0_i32_0 : i32, i32
  }
  func.func @transform_5(%arg0: i32) -> (i32, i32) {
    %c0_i32 = arith.constant 0 : i32
    %c0_i32_0 = arith.constant 0 : i32
    %c0_i32_1 = arith.constant 0 : i32
    return %c0_i32, %c0_i32_0 : i32, i32
  }
  func.func @transform_6(%arg0: i32) -> (i32, i32) {
    %c0_i32 = arith.constant 0 : i32
    %c0_i32_0 = arith.constant 0 : i32
    %c0_i32_1 = arith.constant 0 : i32
    return %c0_i32, %c0_i32_0 : i32, i32
  }
  func.func @transform_7(%arg0: i32) -> (i32, i32) {
    %c0_i32 = arith.constant 0 : i32
    %c0_i32_0 = arith.constant 0 : i32
    %c0_i32_1 = arith.constant 0 : i32
    return %c0_i32, %c0_i32_0 : i32, i32
  }
  func.func @transform_8(%arg0: i32) -> (i32, i32) {
    %c0_i32 = arith.constant 0 : i32
    %c0_i32_0 = arith.constant 0 : i32
    %c0_i32_1 = arith.constant 0 : i32
    return %c0_i32, %c0_i32_0 : i32, i32
  }
  func.func @transform_9(%arg0: i32) -> (i32, i32) {
    %c0_i32 = arith.constant 0 : i32
    %c0_i32_0 = arith.constant 0 : i32
    return %arg0, %c0_i32 : i32, i32
  }
}

</mosaic_0001>

<sc_bundles>
// kernel: kernel.6.cloned.1.call-start
scs
__scs_entry_jumppad:
0x0: {  	(pc) =	sbr.rel $0x88, $3  }
0x1: {  	(tag) =	ssettag $0x0;
	lr =	simm.s32 $0x1  }
0x2: {  	[smem:$0x3F99] =	sst lr;
	_ =	strace $0xD0000000  }
0x3: {  	_ = 	snop  }
0x4: {  	_ = 	snop  }
0x5: {  	_ = 	snop  }
0x6: {  	_ = 	snop  }
0x7: {  	_ = 	snop  }
__scs_overlays_trampoline_lowered:
0x8: {  	[smem:$0x3FA8] =	sst s0  }
0x9: {  	[smem:$0x3FA9] =	sst s1  }
0xa: {  	[smem:$0x3FAA] =	sst s2  }
0xb: {  	[smem:$0x3FAB] =	sst s3  }
0xc: {  	[smem:$0x3FAC] =	sst s4  }
0xd: {  	[smem:$0x3FAD] =	sst s5  }
0xe: {  	[smem:$0x3FAE] =	sst s6  }
0xf: {  	[smem:$0x3FAF] =	sst s7  }
0x10: {  	[smem:$0x3FB0] =	sst s8  }
0x11: {  	[smem:$0x3FB1] =	sst s9;
	s0 =	simm.s32 @!p0 $0x0  }
0x12: {  	s1 =	sld [smem:$0x3F97];
	s0 =	simm.s32 @p0 $0x1  }
0x13: {  	[smem:$0x3FB2] =	sst s0;
	s0 =	simm.s32 @!p1 $0x0  }
0x14: {  	s2 =	sld [smem:$0x3F96];
	s0 =	simm.s32 @p1 $0x1  }
0x15: {  	[smem:$0x3FB3] =	sst s0;
	s0 =	simm.s32 @!p2 $0x0  }
0x16: {  	s3 =	sld [smem:$0x3FDB];
	s0 =	simm.s32 @p2 $0x1  }
0x17: {  	s4 =	simm.s32 $0x1BF5;
	[smem:$0x3FB5] =	sst s0  }
0x18: {  	s0 =	sld [smem:$0x3F98];
	_ =	swait.ge [sflag:s4], $0x0  }
0x19: {  	s7 =	sld [smem:$0x3F99]  }
0x1a: {  	s8 =	sadd.s32 $0xFFFFE003, lr  }
0x1b: {  	s9 =	sadd.s32 $0xFFFFFEF7, lr;
	s5 =	simm.s32 $0xFFFFFFFF;
	p2 =	slt.u32 s8, $0xFFFFF086  }
0x1c: {  	p1 =	slt.u32 s9, $0xF7A;
	s5 =	simm.s32 @!p2 $0x0  }
0x1d: {  	s5 =	simm.s32 @p1 $0x1;
	p0 =	seq.s32 s7, s2  }
0x1e: {  	s7 =	smul.u32 @!p0 $0xF7A, s2;
	p2 =	seq.s32 @!p0 s5, $0x0  }
0x1f: {  	s9 =	smul.u32 $0xF7A, s1;
	s8 =	simm.s32 @!p0 $0x1BF5;
	p2 =	por !p2, p0  }
0x20: {  	[sflag:s8] =	ssyncset.s32 @!p0 $0xFFFFF086;
	s6 =	sadd.s32 @!p0 s3, s7;
	s7 =	simm.s32 @!p0 $0x108  }
0x21: {  	s3 =	sadd.s32 s3, s9;
	s6 =	sadd.s32 @!p0 $0x88, s6;
	s7 =	simm.s32 @p2 $0x1082  }
0x22: {  	[simem:s7], [sflag:s8] =	dma.local @!p0 [hbm:s6], $0xF7A  }
0x23: {  	s9 =	sor.u32 $0xD0000000, s2;
	s6 =	simm.s32 $0x108;
	_ =	swait.ge @!p0 [sflag:s8], $0x0  }
0x24: {  	s3 =	sadd.s32 $0x88, s3;
	s6 =	simm.s32 @!p1 $0x1082;
	[sflag:s4] =	ssyncset.s32 $0xFFFFF086  }
0x25: {  	[simem:s6], [sflag:s4] =	dma.local [hbm:s3], $0xF7A  }
0x26: {  	[smem:$0x3F99] =	sst s1;
	(tag) =	ssettag s2;
	_ =	strace s9  }
0x27: {  	s1 =	sld [smem:$0x3FA9]  }
0x28: {  	s2 =	sld [smem:$0x3FAA]  }
0x29: {  	s4 =	sld [smem:$0x3FAC]  }
0x2a: {  	p0 =	seq.s32 s5, $0x0;
	s5 =	sld [smem:$0x3FAD]  }
0x2b: {  	s6 =	sld [smem:$0x3FAE]  }
0x2c: {  	s7 =	sld [smem:$0x3FAF]  }
0x2d: {  	s3 =	simm.s32 $0x108;
	s8 =	sld [smem:$0x3FB0]  }
0x2e: {  	s3 =	simm.s32 @!p0 $0x1082;
	s9 =	sld [smem:$0x3FB1]  }
0x2f: {  	lr =	sadd.s32 s0, s3;
	s0 =	sld [smem:$0x3FA8]  }
0x30: {  	s3 =	sld [smem:$0x3FAB]  }
0x31: {  	[smem:$0x3FB4] =	sst s10  }
0x32: {  	s10 =	sld [smem:$0x3FB2];
	_ =	sdelay $0x3  }
0x33: {  	p0 =	seq.s32 s10, $0x1;
	s10 =	sld [smem:$0x3FB4];
	_ =	sdelay $0x3  }
0x34: {  	[smem:$0x3FB4] =	sst s10  }
0x35: {  	s10 =	sld [smem:$0x3FB3];
	_ =	sdelay $0x3  }
0x36: {  	p1 =	seq.s32 s10, $0x1;
	s10 =	sld [smem:$0x3FB4];
	_ =	sdelay $0x3  }
0x37: {  	[smem:$0x3FB4] =	sst s10  }
0x38: {  	s10 =	sld [smem:$0x3FB5]  }
0x39: {  	_ = 	snop;
	(pc) =	sbr.ind lr, $3  }
0x3a: {  	_ = 	snop  }
0x3b: {  	_ = 	snop  }
0x3c: {  	p2 =	seq.s32 s10, $0x1;
	s10 =	sld [smem:$0x3FB4]  }
0x3d: {  	_ =	shalt  }
0x3e: {  	_ =	shalt  }
0x3f: {  	_ =	shalt  }
0x40: {  	_ =	shalt  }
0x41: {  	_ =	shalt  }
0x42: {  	_ =	shalt  }
0x43: {  	_ =	shalt  }
0x44: {  	_ =	shalt  }
0x45: {  	_ =	shalt  }
0x46: {  	_ =	shalt  }
0x47: {  	_ =	shalt  }
0x48: {  	_ =	shalt  }
0x49: {  	_ =	shalt  }
0x4a: {  	_ =	shalt  }
0x4b: {  	_ =	shalt  }
0x4c: {  	_ =	shalt  }
0x4d: {  	_ =	shalt  }
0x4e: {  	_ =	shalt  }
0x4f: {  	_ =	shalt  }
0x50: {  	_ =	shalt  }
0x51: {  	_ =	shalt  }
0x52: {  	_ =	shalt  }
0x53: {  	_ =	shalt  }
0x54: {  	_ =	shalt  }
0x55: {  	_ =	shalt  }
0x56: {  	_ =	shalt  }
0x57: {  	_ =	shalt  }
0x58: {  	_ =	shalt  }
0x59: {  	_ =	shalt  }
0x5a: {  	_ =	shalt  }
0x5b: {  	_ =	shalt  }
0x5c: {  	_ =	shalt  }
0x5d: {  	_ =	shalt  }
0x5e: {  	_ =	shalt  }
0x5f: {  	_ =	shalt  }
0x60: {  	_ =	shalt  }
0x61: {  	_ =	shalt  }
0x62: {  	_ =	shalt  }
0x63: {  	_ =	shalt  }
0x64: {  	_ =	shalt  }
0x65: {  	_ =	shalt  }
0x66: {  	_ =	shalt  }
0x67: {  	_ =	shalt  }
0x68: {  	_ =	shalt  }
0x69: {  	_ =	shalt  }
0x6a: {  	_ =	shalt  }
0x6b: {  	_ =	shalt  }
0x6c: {  	_ =	shalt  }
0x6d: {  	_ =	shalt  }
0x6e: {  	_ =	shalt  }
0x6f: {  	_ =	shalt  }
0x70: {  	_ =	shalt  }
0x71: {  	_ =	shalt  }
0x72: {  	_ =	shalt  }
0x73: {  	_ =	shalt  }
0x74: {  	_ =	shalt  }
0x75: {  	_ =	shalt  }
0x76: {  	_ =	shalt  }
0x77: {  	_ =	shalt  }
0x78: {  	_ =	shalt  }
0x79: {  	_ =	shalt  }
0x7a: {  	_ =	shalt  }
0x7b: {  	_ =	shalt  }
0x7c: {  	_ =	shalt  }
0x7d: {  	_ =	shalt  }
0x7e: {  	_ =	shalt  }
0x7f: {  	_ =	shalt  }
0x80: {  	_ =	shalt  }
0x81: {  	_ =	shalt  }
0x82: {  	_ =	shalt  }
0x83: {  	_ =	shalt  }
0x84: {  	_ =	shalt  }
0x85: {  	_ =	shalt  }
0x86: {  	_ =	shalt  }
0x87: {  	_ =	shalt  }
.Lfunc_end0:
.L_simem_size_0:
called_computation_lowered:
.L_overlay_start_0:
0x88: {  	s2 =	sld [smem:$0x3FD9]  }
0x89: {  	s3 =	sld [smem:$0x3FFE];
	_ =	sdelay $0x1  }
0x8a: {  	s1 =	srdreg.scid  }
0x8b: {  	s0 =	sand.u32 $0x1, s1  }
0x8c: {  	s16 =	sshll.u32 s0, $0xA;
	s2 =	sadd.s32 s3, s2  }
0x8d: {  	s2 =	sadd.s32 s2, s16  }
0x8e: {  	[smem:$0x3FC0] =	sst s2  }
0x8f: {  	_ = 	snop  }
0x90: {  	(tm) =	ssettm $0x1  }
0x91: {  	s17 =	sld [smem:$0x3FFB];
	_ =	sdelay $0x3  }
0x92: {  	_ =	strace s17  }
0x93: {  	s2 =	sld [smem:$0x3FFC];
	_ =	sdelay $0x3  }
0x94: {  	_ =	strace s2  }
0x95: {  	s2 =	sld [smem:$0x3FFD];
	_ =	sdelay $0x3  }
0x96: {  	_ =	strace s2  }
0x97: {  	_ =	strace $0x8FFFFFFF  }
0x98: {  	s18 =	sld [smem:$0x3FDB];
	_ =	sdelay $0x1  }
0x99: {  	s19 =	simm.s32 $_scs_section_size  }
0x9a: {  	s4 =	simm.s32 $_size__tile_overlayer_lowered;
	s5 =	simm.s32 $_tile_overlayer_lowered  }
0x9b: {  	s22 =	simm.s32 $0x1BFF;
	s21 =	sshll.u32 s5, $0x1;
	s2 =	sadd.s32 s19, s18  }
0x9c: {  	s6 =	simm.s32 $0x0;
	s20 =	sshll.u32 s4, $0x1;
	s4 =	sadd.s32 s21, s2  }
0x9d: {  	[timem:s6], [sflag:s22] =	dma.local [hbm:s4], s20  }
0x9e: {  	_ =	swait.ge [sflag:s22], s20  }
0x9f: {  	s3 =	ssub.s32 $0x0, s20;
	[sflag:s22] =	ssyncset.done $0x0  }
0xa0: {  	[sflag:s22] =	ssyncadd.s32 s3;
	_ =	sdelay $0x1  }
0xa1: {  	s23 =	simm.s32 $0x1B8B  }
0xa2: {  	_ =	swait.ge [sflag:s23], $0x1  }
0xa3: {  	[sflag:s23] =	ssyncset.done $0x0  }
0xa4: {  	s25 =	simm.s32 $0x1B8E;
	s24 =	sld [smem:$0x3FFE];
	[sflag:s23] =	ssyncadd.s32 $0xFFFFFFFF  }
0xa5: {  	s26 =	simm.s32 $execute0_lowered;
	[smem:$0x3FD2] =	sst s25  }
0xa6: {  	s4 =	sshll.u32 s26, $0x1;
	_ =	strace $0x80000046;
	[dreg:$0x1] =	wrdreg $0xFFFFFFFF  }
0xa7: {  	s28 =	simm.s32 $_size_execute0_lowered;
	s2 =	sadd.s32 s2, s4;
	[dreg:$0x0] =	wrdreg $0x0  }
0xa8: {  	s4 =	sshll.u32 s28, $0x1;
	[dreg:$0x2] =	wrdreg s2  }
0xa9: {  	[dreg:$0x3] =	wrdreg s4  }
0xaa: {  	[dreg:$0x4] =	wrdreg $0xC0  }
0xab: {  	_ =	task [dreg:s6], $0x5FFFF  }
0xac: {  	[dreg:$0x1] =	wrdreg $0xFFFFFFFF  }
0xad: {  	[dreg:$0x0] =	wrdreg $0x60  }
0xae: {  	[dreg:$0x2] =	wrdreg s24  }
0xaf: {  	[dreg:$0x3] =	wrdreg $0x68000  }
0xb0: {  	[dreg:$0x4] =	wrdreg $0x9  }
0xb1: {  	_ =	task.clear_ibuf [dreg:s6], $0x5FFFF;
	_ =	strace $0x90000046  }
0xb2: {  	s29 =	simm.s32 $0x9;
	_ =	strace $0x80000048  }
0xb3: {  	_ =	swait.ge [sflag:s29], $0x1  }
0xb4: {  	[sflag:s29] =	ssyncadd.s32 $0xFFFFFFFF  }
0xb5: {  	_ =	strace $0x90000048  }
0xb6: {  	_ =	sfence  }
0xb7: {  	s30 =	sld [smem:$0x0];
	_ =	sdelay $0x2  }
0xb8: {  	s31 =	sshll.u32 s1, $0xD;
	s1 =	sshrl.u32 s1, $0x2  }
0xb9: {  	s3 =	sand.u32 $0x4000, s31;
	s1 =	sadd.s32 s1, s30  }
0xba: {  	s0 =	sor.u32 s3, s0;
	s1 =	sshll.u32 s1, $0x11  }
0xbb: {  	s0 =	sor.u32 s1, s0  }
0xbc: {  	s0 =	sadd.s32 $0x8F2B, s0  }
0xbd: {  	[sflag:s0] =	ssyncadd.remote.s32 $0x1  }
0xbe: {  	_ =	sfence.sel $0xFFFF  }
0xbf: {  	[dreg:$0x0] =	wrdreg $0xFFFFFFFF;
	(pc) =	sbr.abs _section_cstart, $3  }
0xc0: {  	[dreg:$0x1] =	wrdreg $0xFFFFFFFF  }
0xc1: {  	_ =	task.clear_ibuf [dreg:s6], $0x2FFFF;
	_ =	strace $0x9FFFFFFF  }
0xc2: {  	(tm) =	ssettm $0x7FFFFFFF  }
0xc3: {  	_ =	shalt  }
tec
execute0_lowered:
.L_overlay_start_1:
0x0: {  	(tag) =	ssettag $0x1  }
0x1: {  	s5 =	rddreg [dreg:$0x0]  }
0x2: {  	s0 =	srdreg.scid;
	s2 =	rddreg [dreg:$0x1];
	s3 =	simm.s32 $0x0  }
0x3: {  	s13 =	simm.s32 $0x80;
	s4 =	sand.u32 $0x1, s0;
	s0 =	stileid.u32  }
0x4: {  	s14 =	simm.s32 $0x2800;
	s15 =	simm.s32 $0x0;
	s7 =	smul.u32 $0x14000, s0  }
0x5: {  	[smem:$0x7FF] =	sst s3;
	s1 =	sshll.u32 s4, $0x4;
	s8 =	smul.u32 $0x140000, s4  }
0x6: {  	s4 =	ssub.s32 $0x2, s4;
	s10 =	smul.u32 $0x50000, s0;
	s11 =	sshll.u32 s0, $0x6  }
0x7: {  	s1 =	sor.u32 s0, s1;
	s30 =	sshrl.u32 s4, $0x1;
	s11 =	sor.u32 $0x1C01, s11  }
0x8: {  	s6 =	smul.u32 $0x2800, s1;
	s1 =	rddreg [dreg:$0x2];
	_ =	strace $0x80000047  }
0x9: {  	s9 =	sshrl.u32 s7, $0x3;
	s7 =	sadd.s32 s7, s8;
	s8 =	ssub.s32 s4, s30  }
0xa: {  	s31 =	sshrl.u32 s10, $0x2;
	s10 =	simm.s32 $0x1400;
	s7 =	sshrl.u32 s7, $0x3  }
0xb: {  	s9 =	sadd.s32 s9, s5;
	s12 =	sadd.s32 s31, s2;
	s6 =	sshrl.u32 s6, $0x3  }
0xc: {  	s8 =	smax.u32 s8, $0x1;
	s7 =	sadd.s32 s7, s5;
	s6 =	sadd.s32 s6, s5  }
0xd: {  	s12 =	sshrl.u32 s12, $0x3;
	s7 =	sadd.s32 $0x34200, s7;
	s4 =	sadd.s32 $0x2200, s6  }
0xe: {  	v0 =	vimm.f32 $1.000000000e+00;
	s5 =	sadd.s32 $0x2480, s6;
	s6 =	sadd.s32 $0xC200, s9;
	s9 =	simm.s32 $0x1  }
.LBB2_1:
0xf: {  	[tilespmem:s3], [sflag:$0x1] =	stream.linear.gather [hbm4b:s4+s3], $0x1400, $0x38;
	[tilespmem:$0x1A800] =	vst v63  }
0x10: {  	_ =	swait.ge [sflag:s9], $0x1400  }
0x11: {  	[sflag:s9] =	ssyncset.done $0x0  }
0x12: {  	[sflag:s9] =	ssyncadd.s32 $0xFFFFEC00  }
0x13: {  	[tilespmem:s10], [sflag:$0x1] =	stream.linear.gather [hbm4b:s5+s3], $0x1400, $0x38;
	[tilespmem:$0x1A800] =	vst v63  }
0x14: {  	_ =	swait.ge [sflag:s9], $0x1400  }
0x15: {  	[sflag:s9] =	ssyncset.done $0x0  }
0x16: {  	s16 =	simm.s32 $0x0;
	s17 =	simm.s32 $0x200;
	[sflag:s9] =	ssyncadd.s32 $0xFFFFEC00  }
.LBB2_2:
0x17: {  	p0 =	sne.s32 s17, $0xFE00;
	[tilespmem:s16+$0x2870] =	vst v0  }
0x18: {  	[tilespmem:s16+$0x2800] =	vst v0  }
0x19: {  	[tilespmem:s16+$0x2810] =	vst v0  }
.Ltmp0:
0x1a: {  	[tilespmem:s16+$0x2820] =	vst v0;
	(pc) =	sbr.rel @p0 .LBB2_2-.Ltmp0, $4  }
0x1b: {  	[tilespmem:s16+$0x2830] =	vst v0  }
0x1c: {  	[tilespmem:s16+$0x2840] =	vst v0  }
0x1d: {  	[tilespmem:s16+$0x2850] =	vst v0  }
0x1e: {  	[tilespmem:s16+$0x2860] =	vst v0;
	s16 =	sshra.s32 s17, $0x2;
	s17 =	sadd.s32 $0x200, s17  }
0x1f: {  	[tilespmem:s16+$0x2870] =	vst v0  }
0x20: {  	[tilespmem:s16+$0x2800] =	vst v0  }
0x21: {  	[tilespmem:s16+$0x2810] =	vst v0  }
0x22: {  	[tilespmem:s16+$0x2820] =	vst v0  }
0x23: {  	[tilespmem:s16+$0x2830] =	vst v0  }
0x24: {  	[tilespmem:s16+$0x2840] =	vst v0  }
0x25: {  	[tilespmem:s16+$0x2850] =	vst v0  }
0x26: {  	[tilespmem:s16+$0x2860] =	vst v0  }
0x27: {  	[spmem:s12], [sflag:s11] =	dma.local [hbm:s6], $0x2800  }
0x28: {  	_ =	swait.ge [sflag:s9], $0x2800  }
0x29: {  	[sflag:s9] =	ssyncset.done $0x0  }
0x2a: {  	[sflag:s9] =	ssyncadd.s32 $0xFFFFD800  }
0x2b: {  	s31 =	simm.s32 $0x0;
	[bflag:$0x0] =	sbarrier.arrive $0xFFFF  }
0x2c: {  	[spmem:s2] =	stream.indirect.scatter.add.f32 [tilespmem:s14], [sflag:$0x1], $0x80, s31, s13, $0xb8;
	[tilespmem:$0x1A800] =	vst v63  }
0x2d: {  	_ =	swait.ge [sflag:s9], $0x4000  }
0x2e: {  	s16 =	simm.s32 $0x200;
	[sflag:s9] =	ssyncset.done $0x0  }
.LBB2_4:
0x2f: {  	s17 =	sshra.s32 s16, $0x2;
	[sflag:s9] =	ssyncadd.s32 $0xFFFFC000;
	p0 =	sne.s32 s16, $0x9E00  }
0x30: {  	[spmem:s2] =	stream.indirect.scatter.add.f32 [tilespmem:s14], [sflag:$0x1], $0x80, s17, s13, $0xb8;
	[tilespmem:$0x1A800] =	vst v63  }
.Ltmp1:
0x31: {  	_ = 	snop;
	(pc) =	sbr.rel @p0 .LBB2_4-.Ltmp1, $4  }
0x32: {  	_ = 	snop  }
0x33: {  	s16 =	sadd.s32 $0x200, s16  }
0x34: {  	_ =	swait.ge [sflag:s9], $0x4000  }
0x35: {  	[sflag:s9] =	ssyncset.done $0x0  }
0x36: {  	s15 =	sadd.s32 $0x1, s15  }
0x37: {  	[sflag:s9] =	ssyncadd.s32 $0xFFFFC000;
	p0 =	sne.s32 s15, s8  }
.Ltmp2:
0x38: {  	[bflag:$0x0] =	sbarrier.arrive $0xFFFF;
	(pc) =	sbr.rel @p0 .LBB2_1-.Ltmp2, $4  }
0x39: {  	[hbm:s7], [sflag:s11] =	dma.local [spmem:s12], $0x2800  }
0x3a: {  	_ =	swait.ge [sflag:s9], $0x2800  }
0x3b: {  	[sflag:s9] =	ssyncset.done $0x0  }
0x3c: {  	[sflag:s9] =	ssyncadd.s32 $0xFFFFD800  }
0x3d: {  	_ =	sfence.sel $0x180000  }
0x3e: {  	[bflag:$0x0] =	sbarrier.arrive $0xFFFF  }
0x3f: {  	p0 =	sne.s32 s0, $0x0;
	_ =	strace $0x90000047  }
0x40: {  	s0 =	sadd.s32 @!p0 $0x100000, s1;
	[bflag:$0x2] =	sbarrier.arrive $0xFFFF  }
0x41: {  	[sflag:s0] =	ssyncadd.tile.s32 @!p0 $0x1;
	_ =	shalt  }
.Lfunc_end2:
_tile_overlayer_lowered:
.L_overlay_start_2:
0x42: {  	(tag) =	ssettag $0x2  }
0x43: {  	s0 =	rddreg [dreg:$0x0];
	s2 =	stileid.u32  }
0x44: {  	s1 =	rddreg [dreg:$0x1];
	p0 =	sne.s32 s2, $0x0  }
0x45: {  	s3 =	rddreg [dreg:$0x2];
	[bflag:$0x3] =	sbarrier.arrive $0xFFFF;
	s2 =	simm.s32 @!p0 $0x1C01  }
0x46: {  	[timem:s3], [sflag:s2] =	dma.local @!p0 [hbm:s0], s1  }
0x47: {  	s0 =	simm.s32 @!p0 $0x1  }
0x48: {  	_ =	swait.ge @!p0 [sflag:s0], s1  }
0x49: {  	s1 =	ssub.s32 @!p0 $0x0, s1;
	[sflag:s0] =	ssyncset.done @!p0 $0x0  }
0x4a: {  	[sflag:s0] =	ssyncadd.s32 @!p0 s1  }
0x4b: {  	[bflag:$0x3] =	sbarrier.arrive $0xFFFF  }
0x4c: {  	_ =	shalt  }

// kernel: kernel.9.cloned.1.call-start
scs
__scs_entry_jumppad:
0x0: {  	(pc) =	sbr.rel $0x88, $3  }
0x1: {  	(tag) =	ssettag $0x0;
	lr =	simm.s32 $0x1  }
0x2: {  	[smem:$0x3F99] =	sst lr;
	_ =	strace $0xD0000000  }
0x3: {  	_ = 	snop  }
0x4: {  	_ = 	snop  }
0x5: {  	_ = 	snop  }
0x6: {  	_ = 	snop  }
0x7: {  	_ = 	snop  }
__scs_overlays_trampoline_lowered:
0x8: {  	[smem:$0x3FA8] =	sst s0  }
0x9: {  	[smem:$0x3FA9] =	sst s1  }
0xa: {  	[smem:$0x3FAA] =	sst s2  }
0xb: {  	[smem:$0x3FAB] =	sst s3  }
0xc: {  	[smem:$0x3FAC] =	sst s4  }
0xd: {  	[smem:$0x3FAD] =	sst s5  }
0xe: {  	[smem:$0x3FAE] =	sst s6  }
0xf: {  	[smem:$0x3FAF] =	sst s7  }
0x10: {  	[smem:$0x3FB0] =	sst s8  }
0x11: {  	[smem:$0x3FB1] =	sst s9;
	s0 =	simm.s32 @!p0 $0x0  }
0x12: {  	s1 =	sld [smem:$0x3F97];
	s0 =	simm.s32 @p0 $0x1  }
0x13: {  	[smem:$0x3FB2] =	sst s0;
	s0 =	simm.s32 @!p1 $0x0  }
0x14: {  	s2 =	sld [smem:$0x3F96];
	s0 =	simm.s32 @p1 $0x1  }
0x15: {  	[smem:$0x3FB3] =	sst s0;
	s0 =	simm.s32 @!p2 $0x0  }
0x16: {  	s3 =	sld [smem:$0x3FDB];
	s0 =	simm.s32 @p2 $0x1  }
0x17: {  	s4 =	simm.s32 $0x1BF5;
	[smem:$0x3FB5] =	sst s0  }
0x18: {  	s0 =	sld [smem:$0x3F98];
	_ =	swait.ge [sflag:s4], $0x0  }
0x19: {  	s7 =	sld [smem:$0x3F99]  }
0x1a: {  	s8 =	sadd.s32 $0xFFFFE003, lr  }
0x1b: {  	s9 =	sadd.s32 $0xFFFFFEF7, lr;
	s5 =	simm.s32 $0xFFFFFFFF;
	p2 =	slt.u32 s8, $0xFFFFF086  }
0x1c: {  	p1 =	slt.u32 s9, $0xF7A;
	s5 =	simm.s32 @!p2 $0x0  }
0x1d: {  	s5 =	simm.s32 @p1 $0x1;
	p0 =	seq.s32 s7, s2  }
0x1e: {  	s7 =	smul.u32 @!p0 $0xF7A, s2;
	p2 =	seq.s32 @!p0 s5, $0x0  }
0x1f: {  	s9 =	smul.u32 $0xF7A, s1;
	s8 =	simm.s32 @!p0 $0x1BF5;
	p2 =	por !p2, p0  }
0x20: {  	[sflag:s8] =	ssyncset.s32 @!p0 $0xFFFFF086;
	s6 =	sadd.s32 @!p0 s3, s7;
	s7 =	simm.s32 @!p0 $0x108  }
0x21: {  	s3 =	sadd.s32 s3, s9;
	s6 =	sadd.s32 @!p0 $0x88, s6;
	s7 =	simm.s32 @p2 $0x1082  }
0x22: {  	[simem:s7], [sflag:s8] =	dma.local @!p0 [hbm:s6], $0xF7A  }
0x23: {  	s9 =	sor.u32 $0xD0000000, s2;
	s6 =	simm.s32 $0x108;
	_ =	swait.ge @!p0 [sflag:s8], $0x0  }
0x24: {  	s3 =	sadd.s32 $0x88, s3;
	s6 =	simm.s32 @!p1 $0x1082;
	[sflag:s4] =	ssyncset.s32 $0xFFFFF086  }
0x25: {  	[simem:s6], [sflag:s4] =	dma.local [hbm:s3], $0xF7A  }
0x26: {  	[smem:$0x3F99] =	sst s1;
	(tag) =	ssettag s2;
	_ =	strace s9  }
0x27: {  	s1 =	sld [smem:$0x3FA9]  }
0x28: {  	s2 =	sld [smem:$0x3FAA]  }
0x29: {  	s4 =	sld [smem:$0x3FAC]  }
0x2a: {  	p0 =	seq.s32 s5, $0x0;
	s5 =	sld [smem:$0x3FAD]  }
0x2b: {  	s6 =	sld [smem:$0x3FAE]  }
0x2c: {  	s7 =	sld [smem:$0x3FAF]  }
0x2d: {  	s3 =	simm.s32 $0x108;
	s8 =	sld [smem:$0x3FB0]  }
0x2e: {  	s3 =	simm.s32 @!p0 $0x1082;
	s9 =	sld [smem:$0x3FB1]  }
0x2f: {  	lr =	sadd.s32 s0, s3;
	s0 =	sld [smem:$0x3FA8]  }
0x30: {  	s3 =	sld [smem:$0x3FAB]  }
0x31: {  	[smem:$0x3FB4] =	sst s10  }
0x32: {  	s10 =	sld [smem:$0x3FB2];
	_ =	sdelay $0x3  }
0x33: {  	p0 =	seq.s32 s10, $0x1;
	s10 =	sld [smem:$0x3FB4];
	_ =	sdelay $0x3  }
0x34: {  	[smem:$0x3FB4] =	sst s10  }
0x35: {  	s10 =	sld [smem:$0x3FB3];
	_ =	sdelay $0x3  }
0x36: {  	p1 =	seq.s32 s10, $0x1;
	s10 =	sld [smem:$0x3FB4];
	_ =	sdelay $0x3  }
0x37: {  	[smem:$0x3FB4] =	sst s10  }
0x38: {  	s10 =	sld [smem:$0x3FB5]  }
0x39: {  	_ = 	snop;
	(pc) =	sbr.ind lr, $3  }
0x3a: {  	_ = 	snop  }
0x3b: {  	_ = 	snop  }
0x3c: {  	p2 =	seq.s32 s10, $0x1;
	s10 =	sld [smem:$0x3FB4]  }
0x3d: {  	_ =	shalt  }
0x3e: {  	_ =	shalt  }
0x3f: {  	_ =	shalt  }
0x40: {  	_ =	shalt  }
0x41: {  	_ =	shalt  }
0x42: {  	_ =	shalt  }
0x43: {  	_ =	shalt  }
0x44: {  	_ =	shalt  }
0x45: {  	_ =	shalt  }
0x46: {  	_ =	shalt  }
0x47: {  	_ =	shalt  }
0x48: {  	_ =	shalt  }
0x49: {  	_ =	shalt  }
0x4a: {  	_ =	shalt  }
0x4b: {  	_ =	shalt  }
0x4c: {  	_ =	shalt  }
0x4d: {  	_ =	shalt  }
0x4e: {  	_ =	shalt  }
0x4f: {  	_ =	shalt  }
0x50: {  	_ =	shalt  }
0x51: {  	_ =	shalt  }
0x52: {  	_ =	shalt  }
0x53: {  	_ =	shalt  }
0x54: {  	_ =	shalt  }
0x55: {  	_ =	shalt  }
0x56: {  	_ =	shalt  }
0x57: {  	_ =	shalt  }
0x58: {  	_ =	shalt  }
0x59: {  	_ =	shalt  }
0x5a: {  	_ =	shalt  }
0x5b: {  	_ =	shalt  }
0x5c: {  	_ =	shalt  }
0x5d: {  	_ =	shalt  }
0x5e: {  	_ =	shalt  }
0x5f: {  	_ =	shalt  }
0x60: {  	_ =	shalt  }
0x61: {  	_ =	shalt  }
0x62: {  	_ =	shalt  }
0x63: {  	_ =	shalt  }
0x64: {  	_ =	shalt  }
0x65: {  	_ =	shalt  }
0x66: {  	_ =	shalt  }
0x67: {  	_ =	shalt  }
0x68: {  	_ =	shalt  }
0x69: {  	_ =	shalt  }
0x6a: {  	_ =	shalt  }
0x6b: {  	_ =	shalt  }
0x6c: {  	_ =	shalt  }
0x6d: {  	_ =	shalt  }
0x6e: {  	_ =	shalt  }
0x6f: {  	_ =	shalt  }
0x70: {  	_ =	shalt  }
0x71: {  	_ =	shalt  }
0x72: {  	_ =	shalt  }
0x73: {  	_ =	shalt  }
0x74: {  	_ =	shalt  }
0x75: {  	_ =	shalt  }
0x76: {  	_ =	shalt  }
0x77: {  	_ =	shalt  }
0x78: {  	_ =	shalt  }
0x79: {  	_ =	shalt  }
0x7a: {  	_ =	shalt  }
0x7b: {  	_ =	shalt  }
0x7c: {  	_ =	shalt  }
0x7d: {  	_ =	shalt  }
0x7e: {  	_ =	shalt  }
0x7f: {  	_ =	shalt  }
0x80: {  	_ =	shalt  }
0x81: {  	_ =	shalt  }
0x82: {  	_ =	shalt  }
0x83: {  	_ =	shalt  }
0x84: {  	_ =	shalt  }
0x85: {  	_ =	shalt  }
0x86: {  	_ =	shalt  }
0x87: {  	_ =	shalt  }
.Lfunc_end0:
.L_simem_size_0:
called_computation.1_lowered:
.L_overlay_start_0:
0x88: {  	s2 =	sld [smem:$0x3FD9]  }
0x89: {  	s3 =	sld [smem:$0x3FFE];
	_ =	sdelay $0x1  }
0x8a: {  	s1 =	srdreg.scid  }
0x8b: {  	s0 =	sand.u32 $0x1, s1  }
0x8c: {  	s17 =	sshll.u32 s0, $0xA;
	s2 =	sadd.s32 s3, s2  }
0x8d: {  	s2 =	sadd.s32 s2, s17  }
0x8e: {  	[smem:$0x3FC0] =	sst s2  }
0x8f: {  	_ = 	snop  }
0x90: {  	s2 =	sld [smem:$0x3FD0];
	(tm) =	ssettm $0x1  }
0x91: {  	s18 =	sld [smem:$0x3FFB];
	_ =	sdelay $0x3  }
0x92: {  	_ =	strace s18  }
0x93: {  	s3 =	sld [smem:$0x3FFC];
	_ =	sdelay $0x3  }
0x94: {  	_ =	strace s3  }
0x95: {  	s3 =	sld [smem:$0x3FFD];
	_ =	sdelay $0x3  }
0x96: {  	_ =	strace s3  }
0x97: {  	_ =	strace $0x8FFFFFFF  }
0x98: {  	s19 =	sld [smem:$0x3FDB];
	_ =	sdelay $0x1  }
0x99: {  	s4 =	simm.s32 $_scs_section_size  }
0x9a: {  	s5 =	simm.s32 $_size__tile_overlayer_lowered;
	s6 =	simm.s32 $_tile_overlayer_lowered  }
0x9b: {  	s22 =	simm.s32 $0x1BFF;
	s21 =	sshll.u32 s6, $0x1;
	s3 =	sadd.s32 s4, s19  }
0x9c: {  	s7 =	simm.s32 $0x0;
	s20 =	sshll.u32 s5, $0x1;
	s5 =	sadd.s32 s21, s3  }
0x9d: {  	[timem:s7], [sflag:s22] =	dma.local [hbm:s5], s20  }
0x9e: {  	_ =	swait.ge [sflag:s22], s20  }
0x9f: {  	s4 =	ssub.s32 $0x0, s20;
	[sflag:s22] =	ssyncset.done $0x0  }
0xa0: {  	[sflag:s22] =	ssyncadd.s32 s4;
	_ =	sdelay $0x1  }
0xa1: {  	s23 =	simm.s32 $0x1B8B  }
0xa2: {  	_ =	swait.ge [sflag:s23], $0x1  }
0xa3: {  	[sflag:s23] =	ssyncset.done $0x0  }
0xa4: {  	s25 =	simm.s32 $0x1B8E;
	s24 =	sld [smem:$0x3FFE];
	[sflag:s23] =	ssyncadd.s32 $0xFFFFFFFF  }
0xa5: {  	s26 =	simm.s32 $execute0_lowered;
	[smem:$0x3FD2] =	sst s25  }
0xa6: {  	s5 =	sshll.u32 s26, $0x1;
	_ =	strace $0x80000049;
	[dreg:$0x1] =	wrdreg $0xFFFFFFFF  }
0xa7: {  	s28 =	simm.s32 $_size_execute0_lowered;
	s3 =	sadd.s32 s3, s5;
	[dreg:$0x0] =	wrdreg $0x0  }
0xa8: {  	s5 =	sshll.u32 s28, $0x1;
	[dreg:$0x2] =	wrdreg s3  }
0xa9: {  	[dreg:$0x3] =	wrdreg s5  }
0xaa: {  	[dreg:$0x4] =	wrdreg $0xC0  }
0xab: {  	_ =	task [dreg:s7], $0x5FFFF  }
0xac: {  	[dreg:$0x1] =	wrdreg $0xFFFFFFFF  }
0xad: {  	[dreg:$0x0] =	wrdreg $0x60  }
0xae: {  	[dreg:$0x2] =	wrdreg s2  }
0xaf: {  	[dreg:$0x3] =	wrdreg s24  }
0xb0: {  	[dreg:$0x4] =	wrdreg $0xA8000  }
0xb1: {  	[dreg:$0x5] =	wrdreg $0x9  }
0xb2: {  	_ =	task.clear_ibuf [dreg:s7], $0x6FFFF;
	_ =	strace $0x90000049  }
0xb3: {  	s29 =	simm.s32 $0x9;
	_ =	strace $0x8000004B  }
0xb4: {  	_ =	swait.ge [sflag:s29], $0x1  }
0xb5: {  	[sflag:s29] =	ssyncadd.s32 $0xFFFFFFFF  }
0xb6: {  	_ =	strace $0x9000004B  }
0xb7: {  	_ =	sfence  }
0xb8: {  	s30 =	sld [smem:$0x0];
	_ =	sdelay $0x2  }
0xb9: {  	s31 =	sshll.u32 s1, $0xD;
	s1 =	sshrl.u32 s1, $0x2  }
0xba: {  	s3 =	sand.u32 $0x4000, s31;
	s1 =	sadd.s32 s1, s30  }
0xbb: {  	s0 =	sor.u32 s3, s0;
	s1 =	sshll.u32 s1, $0x11  }
0xbc: {  	s0 =	sor.u32 s1, s0  }
0xbd: {  	s0 =	sadd.s32 $0x8F2B, s0  }
0xbe: {  	[sflag:s0] =	ssyncadd.remote.s32 $0x1  }
0xbf: {  	_ =	sfence.sel $0xFFFF  }
0xc0: {  	[dreg:$0x0] =	wrdreg $0xFFFFFFFF;
	(pc) =	sbr.abs _section_cstart, $3  }
0xc1: {  	[dreg:$0x1] =	wrdreg $0xFFFFFFFF  }
0xc2: {  	_ =	task.clear_ibuf [dreg:s7], $0x2FFFF;
	_ =	strace $0x9FFFFFFF  }
0xc3: {  	(tm) =	ssettm $0x7FFFFFFF  }
tec
execute0_lowered:
.L_overlay_start_1:
0x0: {  	(tag) =	ssettag $0x1  }
0x1: {  	s2 =	rddreg [dreg:$0x0]  }
0x2: {  	s5 =	rddreg [dreg:$0x1]  }
0x3: {  	s3 =	rddreg [dreg:$0x2]  }
0x4: {  	s0 =	rddreg [dreg:$0x3];
	s1 =	stileid.u32  }
0x5: {  	s6 =	srdreg.scid;
	s4 =	simm.s32 $0x0;
	s16 =	simm.s32 $0x80  }
0x6: {  	s17 =	simm.s32 $0x2800;
	s18 =	simm.s32 $0x6800;
	s19 =	simm.s32 $0x1  }
0x7: {  	s20 =	simm.s32 $0x2;
	s21 =	simm.s32 $0x2700;
	s22 =	simm.s32 $0x2780  }
0x8: {  	s23 =	simm.s32 $0x0;
	s7 =	smul.u32 $0x14000, s1;
	s6 =	sand.u32 $0x1, s6  }
0x9: {  	[smem:$0x7FF] =	sst s4;
	s9 =	sadd.s32 $0x84200, s5;
	s25 =	smul.u32 $0x50000, s1  }
0xa: {  	s11 =	sadd.s32 $0x2200, s5;
	s30 =	sshll.u32 s1, $0x6;
	s8 =	smul.u32 $0x140000, s6  }
0xb: {  	_ =	strace $0x8000004A;
	s12 =	sshll.u32 s6, $0x4;
	s26 =	ssub.s32 $0x2, s6  }
0xc: {  	s6 =	sor.u32 $0x1C03, s30;
	s10 =	sshrl.u32 s7, $0x3;
	s28 =	sor.u32 s1, s12  }
0xd: {  	s29 =	sshrl.u32 s26, $0x1;
	s10 =	sadd.s32 s10, s5;
	s7 =	sadd.s32 s7, s8  }
0xe: {  	s8 =	sshrl.u32 s25, $0x2;
	s12 =	smul.u32 $0x2800, s28;
	s7 =	sshrl.u32 s7, $0x3  }
0xf: {  	s14 =	ssub.s32 s26, s29;
	s15 =	sadd.s32 s8, s3;
	s13 =	sadd.s32 s7, s5  }
0x10: {  	s5 =	sadd.s32 $0xC200, s10;
	s31 =	sshrl.u32 s12, $0x3;
	s12 =	smax.u32 s14, $0x1  }
0x11: {  	s14 =	simm.s32 $0x3;
	s7 =	sadd.s32 s9, s31;
	s10 =	sadd.s32 $0x280, s31  }
0x12: {  	s8 =	sadd.s32 s11, s31;
	s9 =	sadd.s32 s9, s10;
	s10 =	sadd.s32 s11, s10  }
0x13: {  	s11 =	sadd.s32 $0x8E200, s13;
	s13 =	sshrl.u32 s15, $0x3;
	s15 =	simm.s32 $0x1400  }
.LBB2_1:
0x14: {  	[spmem:s13], [sflag:s6] =	dma.local [hbm:s5], $0x2800  }
0x15: {  	_ =	swait.ge [sflag:s14], $0x2800  }
0x16: {  	[sflag:s14] =	ssyncset.done $0x0  }
0x17: {  	[sflag:s14] =	ssyncadd.s32 $0xFFFFD800  }
0x18: {  	[bflag:$0x0] =	sbarrier.arrive $0xFFFF  }
0x19: {  	[tilespmem:s4], [sflag:$0x3] =	stream.linear.gather [hbm4b:s7+s4], $0x1400, $0x38;
	[tilespmem:$0x1E800] =	vst v63  }
0x1a: {  	_ =	swait.ge [sflag:s14], $0x1400  }
0x1b: {  	[sflag:s14] =	ssyncset.done $0x0  }
0x1c: {  	[sflag:s14] =	ssyncadd.s32 $0xFFFFEC00  }
0x1d: {  	[tilespmem:s15], [sflag:$0x3] =	stream.linear.gather [hbm4b:s8+s4], $0x1400, $0x38;
	[tilespmem:$0x1E800] =	vst v63  }
0x1e: {  	_ =	swait.ge [sflag:s14], $0x1400  }
0x1f: {  	[sflag:s14] =	ssyncset.done $0x0  }
0x20: {  	[sflag:s14] =	ssyncadd.s32 $0xFFFFEC00  }
0x21: {  	[tilespmem:s17], [sflag:$0x1] =	stream.indirect.gather [hbm4b:s2+s16], $0x80, s4, s16, $0xb8;
	[tilespmem:$0x1E800] =	vst v63  }
0x22: {  	_ = 	snop  }
0x23: {  	[tilespmem:s18], [sflag:$0x2] =	stream.indirect.gather [hbm4b:s2+s16], $0x80, s16, s16, $0xb8;
	[tilespmem:$0x1E800] =	vst v63  }
0x24: {  	_ =	swait.ge [sflag:s19], $0x4000  }
0x25: {  	[sflag:s19] =	ssyncset.done $0x0  }
0x26: {  	s24 =	simm.s32 $0x1400;
	[sflag:s19] =	ssyncadd.s32 $0xFFFFC000  }
0x27: {  	[spmem:s3] =	stream.indirect.scatter.add.f32 [tilespmem:s17], [sflag:$0x3], $0x80, s24, s16, $0xb8;
	[tilespmem:$0x1E800] =	vst v63  }
0x28: {  	_ =	swait.ge [sflag:s14], $0x4000  }
0x29: {  	[sflag:s14] =	ssyncset.done $0x0  }
0x2a: {  	s30 =	simm.s32 $0x100;
	[sflag:s14] =	ssyncadd.s32 $0xFFFFC000  }
0x2b: {  	[tilespmem:s17], [sflag:$0x1] =	stream.indirect.gather [hbm4b:s2+s16], $0x80, s30, s16, $0xb8;
	[tilespmem:$0x1E800] =	vst v63  }
0x2c: {  	_ =	swait.ge [sflag:s20], $0x4000  }
0x2d: {  	[sflag:s20] =	ssyncset.done $0x0  }
0x2e: {  	s31 =	simm.s32 $0x1480;
	[sflag:s20] =	ssyncadd.s32 $0xFFFFC000  }
0x2f: {  	[spmem:s3] =	stream.indirect.scatter.add.f32 [tilespmem:s18], [sflag:$0x3], $0x80, s31, s16, $0xb8;
	[tilespmem:$0x1E800] =	vst v63  }
0x30: {  	_ =	swait.ge [sflag:s14], $0x4000  }
0x31: {  	[sflag:s14] =	ssyncset.done $0x0  }
0x32: {  	s25 =	simm.s32 $0x180;
	s24 =	simm.s32 $0x400;
	[sflag:s14] =	ssyncadd.s32 $0xFFFFC000  }
.LBB2_2:
0x33: {  	[tilespmem:s18], [sflag:$0x2] =	stream.indirect.gather [hbm4b:s2+s16], $0x80, s25, s16, $0xb8;
	[tilespmem:$0x1E800] =	vst v63  }
0x34: {  	s25 =	smov.u32 s24  }
0x35: {  	p0 =	sne.s32 s24, $0x4800;
	s24 =	sadd.s32 $0x400, s24;
	_ =	swait.ge [sflag:s19], $0x4000  }
0x36: {  	s25 =	sshra.s32 s25, $0x2;
	[sflag:s19] =	ssyncset.done $0x0  }
0x37: {  	s26 =	sadd.s32 $0x1400, s25;
	[sflag:s19] =	ssyncadd.s32 $0xFFFFC000  }
0x38: {  	[spmem:s3] =	stream.indirect.scatter.add.f32 [tilespmem:s17], [sflag:$0x3], $0x80, s26, s16, $0xb8;
	[tilespmem:$0x1E800] =	vst v63  }
0x39: {  	_ =	swait.ge [sflag:s14], $0x4000  }
0x3a: {  	[sflag:s14] =	ssyncset.done $0x0  }
0x3b: {  	s26 =	sadd.s32 $0x100, s25;
	[sflag:s14] =	ssyncadd.s32 $0xFFFFC000  }
0x3c: {  	[tilespmem:s17], [sflag:$0x1] =	stream.indirect.gather [hbm4b:s2+s16], $0x80, s26, s16, $0xb8;
	[tilespmem:$0x1E800] =	vst v63  }
0x3d: {  	_ =	swait.ge [sflag:s20], $0x4000  }
0x3e: {  	[sflag:s20] =	ssyncset.done $0x0  }
.Ltmp0:
0x3f: {  	s26 =	sadd.s32 $0x1480, s25;
	[sflag:s20] =	ssyncadd.s32 $0xFFFFC000;
	(pc) =	sbr.rel @p0 .LBB2_2-.Ltmp0, $4  }
0x40: {  	[spmem:s3] =	stream.indirect.scatter.add.f32 [tilespmem:s18], [sflag:$0x3], $0x80, s26, s16, $0xb8;
	[tilespmem:$0x1E800] =	vst v63  }
0x41: {  	_ =	swait.ge [sflag:s14], $0x4000  }
0x42: {  	[sflag:s14] =	ssyncset.done $0x0  }
0x43: {  	s25 =	sadd.s32 $0x180, s25;
	[sflag:s14] =	ssyncadd.s32 $0xFFFFC000  }
0x44: {  	[tilespmem:s18], [sflag:$0x2] =	stream.indirect.gather [hbm4b:s2+s16], $0x80, s25, s16, $0xb8;
	[tilespmem:$0x1E800] =	vst v63  }
0x45: {  	_ =	swait.ge [sflag:s19], $0x4000  }
0x46: {  	[sflag:s19] =	ssyncset.done $0x0  }
0x47: {  	[sflag:s19] =	ssyncadd.s32 $0xFFFFC000  }
0x48: {  	[spmem:s3] =	stream.indirect.scatter.add.f32 [tilespmem:s17], [sflag:$0x3], $0x80, s21, s16, $0xb8;
	[tilespmem:$0x1E800] =	vst v63  }
0x49: {  	_ =	swait.ge [sflag:s14], $0x4000  }
0x4a: {  	[sflag:s14] =	ssyncset.done $0x0  }
0x4b: {  	[sflag:s14] =	ssyncadd.s32 $0xFFFFC000  }
0x4c: {  	_ =	swait.ge [sflag:s20], $0x4000  }
0x4d: {  	[sflag:s20] =	ssyncset.done $0x0  }
0x4e: {  	[sflag:s20] =	ssyncadd.s32 $0xFFFFC000  }
0x4f: {  	[spmem:s3] =	stream.indirect.scatter.add.f32 [tilespmem:s18], [sflag:$0x3], $0x80, s22, s16, $0xb8;
	[tilespmem:$0x1E800] =	vst v63  }
0x50: {  	_ =	swait.ge [sflag:s14], $0x4000  }
0x51: {  	[sflag:s14] =	ssyncset.done $0x0  }
0x52: {  	s24 =	simm.s32 $0x0;
	[sflag:s14] =	ssyncadd.s32 $0xFFFFC000  }
0x53: {  	[tilespmem:s24], [sflag:$0x3] =	stream.linear.gather [hbm4b:s9+s24], $0x1400, $0x38;
	[tilespmem:$0x1E800] =	vst v63  }
0x54: {  	_ =	swait.ge [sflag:s14], $0x1400  }
0x55: {  	[sflag:s14] =	ssyncset.done $0x0  }
0x56: {  	[sflag:s14] =	ssyncadd.s32 $0xFFFFEC00  }
0x57: {  	[tilespmem:s15], [sflag:$0x3] =	stream.linear.gather [hbm4b:s10+s24], $0x1400, $0x38;
	[tilespmem:$0x1E800] =	vst v63  }
0x58: {  	_ =	swait.ge [sflag:s14], $0x1400  }
0x59: {  	[sflag:s14] =	ssyncset.done $0x0  }
0x5a: {  	[sflag:s14] =	ssyncadd.s32 $0xFFFFEC00  }
0x5b: {  	[tilespmem:s17], [sflag:$0x1] =	stream.indirect.gather [hbm4b:s2+s16], $0x80, s24, s16, $0xb8;
	[tilespmem:$0x1E800] =	vst v63  }
0x5c: {  	_ = 	snop  }
0x5d: {  	[tilespmem:s18], [sflag:$0x2] =	stream.indirect.gather [hbm4b:s2+s16], $0x80, s16, s16, $0xb8;
	[tilespmem:$0x1E800] =	vst v63  }
0x5e: {  	_ =	swait.ge [sflag:s19], $0x4000  }
0x5f: {  	[sflag:s19] =	ssyncset.done $0x0  }
0x60: {  	s29 =	simm.s32 $0x1400;
	[sflag:s19] =	ssyncadd.s32 $0xFFFFC000  }
0x61: {  	[spmem:s3] =	stream.indirect.scatter.add.f32 [tilespmem:s17], [sflag:$0x3], $0x80, s29, s16, $0xb8;
	[tilespmem:$0x1E800] =	vst v63  }
0x62: {  	_ =	swait.ge [sflag:s14], $0x4000  }
0x63: {  	[sflag:s14] =	ssyncset.done $0x0  }
0x64: {  	s30 =	simm.s32 $0x100;
	[sflag:s14] =	ssyncadd.s32 $0xFFFFC000  }
0x65: {  	[tilespmem:s17], [sflag:$0x1] =	stream.indirect.gather [hbm4b:s2+s16], $0x80, s30, s16, $0xb8;
	[tilespmem:$0x1E800] =	vst v63  }
0x66: {  	_ =	swait.ge [sflag:s20], $0x4000  }
0x67: {  	[sflag:s20] =	ssyncset.done $0x0  }
0x68: {  	s31 =	simm.s32 $0x1480;
	[sflag:s20] =	ssyncadd.s32 $0xFFFFC000  }
0x69: {  	[spmem:s3] =	stream.indirect.scatter.add.f32 [tilespmem:s18], [sflag:$0x3], $0x80, s31, s16, $0xb8;
	[tilespmem:$0x1E800] =	vst v63  }
0x6a: {  	_ =	swait.ge [sflag:s14], $0x4000  }
0x6b: {  	[sflag:s14] =	ssyncset.done $0x0  }
0x6c: {  	s25 =	simm.s32 $0x180;
	s24 =	simm.s32 $0x400;
	[sflag:s14] =	ssyncadd.s32 $0xFFFFC000  }
.LBB2_4:
0x6d: {  	[tilespmem:s18], [sflag:$0x2] =	stream.indirect.gather [hbm4b:s2+s16], $0x80, s25, s16, $0xb8;
	[tilespmem:$0x1E800] =	vst v63  }
0x6e: {  	s25 =	smov.u32 s24  }
0x6f: {  	p0 =	sne.s32 s24, $0x4800;
	s24 =	sadd.s32 $0x400, s24;
	_ =	swait.ge [sflag:s19], $0x4000  }
0x70: {  	s25 =	sshra.s32 s25, $0x2;
	[sflag:s19] =	ssyncset.done $0x0  }
0x71: {  	s26 =	sadd.s32 $0x1400, s25;
	[sflag:s19] =	ssyncadd.s32 $0xFFFFC000  }
0x72: {  	[spmem:s3] =	stream.indirect.scatter.add.f32 [tilespmem:s17], [sflag:$0x3], $0x80, s26, s16, $0xb8;
	[tilespmem:$0x1E800] =	vst v63  }
0x73: {  	_ =	swait.ge [sflag:s14], $0x4000  }
0x74: {  	[sflag:s14] =	ssyncset.done $0x0  }
0x75: {  	s26 =	sadd.s32 $0x100, s25;
	[sflag:s14] =	ssyncadd.s32 $0xFFFFC000  }
0x76: {  	[tilespmem:s17], [sflag:$0x1] =	stream.indirect.gather [hbm4b:s2+s16], $0x80, s26, s16, $0xb8;
	[tilespmem:$0x1E800] =	vst v63  }
0x77: {  	_ =	swait.ge [sflag:s20], $0x4000  }
0x78: {  	[sflag:s20] =	ssyncset.done $0x0  }
.Ltmp1:
0x79: {  	s26 =	sadd.s32 $0x1480, s25;
	[sflag:s20] =	ssyncadd.s32 $0xFFFFC000;
	(pc) =	sbr.rel @p0 .LBB2_4-.Ltmp1, $4  }
0x7a: {  	[spmem:s3] =	stream.indirect.scatter.add.f32 [tilespmem:s18], [sflag:$0x3], $0x80, s26, s16, $0xb8;
	[tilespmem:$0x1E800] =	vst v63  }
0x7b: {  	_ =	swait.ge [sflag:s14], $0x4000  }
0x7c: {  	[sflag:s14] =	ssyncset.done $0x0  }
0x7d: {  	s25 =	sadd.s32 $0x180, s25;
	[sflag:s14] =	ssyncadd.s32 $0xFFFFC000  }
0x7e: {  	[tilespmem:s18], [sflag:$0x2] =	stream.indirect.gather [hbm4b:s2+s16], $0x80, s25, s16, $0xb8;
	[tilespmem:$0x1E800] =	vst v63  }
0x7f: {  	_ =	swait.ge [sflag:s19], $0x4000  }
0x80: {  	[sflag:s19] =	ssyncset.done $0x0  }
0x81: {  	[sflag:s19] =	ssyncadd.s32 $0xFFFFC000  }
0x82: {  	[spmem:s3] =	stream.indirect.scatter.add.f32 [tilespmem:s17], [sflag:$0x3], $0x80, s21, s16, $0xb8;
	[tilespmem:$0x1E800] =	vst v63  }
0x83: {  	_ =	swait.ge [sflag:s14], $0x4000  }
0x84: {  	[sflag:s14] =	ssyncset.done $0x0  }
0x85: {  	[sflag:s14] =	ssyncadd.s32 $0xFFFFC000  }
0x86: {  	_ =	swait.ge [sflag:s20], $0x4000  }
0x87: {  	[sflag:s20] =	ssyncset.done $0x0  }
0x88: {  	[sflag:s20] =	ssyncadd.s32 $0xFFFFC000  }
0x89: {  	[spmem:s3] =	stream.indirect.scatter.add.f32 [tilespmem:s18], [sflag:$0x3], $0x80, s22, s16, $0xb8;
	[tilespmem:$0x1E800] =	vst v63  }
0x8a: {  	_ =	swait.ge [sflag:s14], $0x4000  }
0x8b: {  	s23 =	sadd.s32 $0x1, s23;
	[sflag:s14] =	ssyncset.done $0x0  }
0x8c: {  	p0 =	sne.s32 s23, s12;
	[sflag:s14] =	ssyncadd.s32 $0xFFFFC000  }
.Ltmp2:
0x8d: {  	[bflag:$0x0] =	sbarrier.arrive $0xFFFF;
	(pc) =	sbr.rel @p0 .LBB2_1-.Ltmp2, $4  }
0x8e: {  	[hbm:s11], [sflag:s6] =	dma.local [spmem:s13], $0x2800  }
0x8f: {  	_ =	swait.ge [sflag:s14], $0x2800  }
0x90: {  	[sflag:s14] =	ssyncset.done $0x0  }
0x91: {  	[sflag:s14] =	ssyncadd.s32 $0xFFFFD800  }
0x92: {  	_ =	sfence.sel $0x180000  }
0x93: {  	[bflag:$0x0] =	sbarrier.arrive $0xFFFF  }
0x94: {  	p0 =	sne.s32 s1, $0x0;
	_ =	strace $0x9000004A  }
0x95: {  	s0 =	sadd.s32 @!p0 $0x100000, s0;
	[bflag:$0x2] =	sbarrier.arrive $0xFFFF  }
0x96: {  	[sflag:s0] =	ssyncadd.tile.s32 @!p0 $0x1;
	_ =	shalt  }
.Lfunc_end2:
_tile_overlayer_lowered:
.L_overlay_start_2:
0x97: {  	(tag) =	ssettag $0x2  }
0x98: {  	s0 =	rddreg [dreg:$0x0];
	s2 =	stileid.u32  }
0x99: {  	s1 =	rddreg [dreg:$0x1];
	p0 =	sne.s32 s2, $0x0  }
0x9a: {  	s3 =	rddreg [dreg:$0x2];
	[bflag:$0x3] =	sbarrier.arrive $0xFFFF;
	s2 =	simm.s32 @!p0 $0x1C03  }
0x9b: {  	[timem:s3], [sflag:s2] =	dma.local @!p0 [hbm:s0], s1  }
0x9c: {  	s0 =	simm.s32 @!p0 $0x3  }
0x9d: {  	_ =	swait.ge @!p0 [sflag:s0], s1  }
0x9e: {  	s1 =	ssub.s32 @!p0 $0x0, s1;
	[sflag:s0] =	ssyncset.done @!p0 $0x0  }
0x9f: {  	[sflag:s0] =	ssyncadd.s32 @!p0 s1  }
0xa0: {  	[bflag:$0x3] =	sbarrier.arrive $0xFFFF  }
0xa1: {  	_ =	shalt  }

</sc_bundles>
